<compile_context>
chip_gen: v7x
topology: tpu7x:2x2x1
jax: 0.10.2.dev20260603
libtpu: 0.0.44.dev20260713+nightly
codegen_flags: <defaults>
</compile_context>

<pallas_src>
import functools

import jax
import jax.numpy as jnp
from jax import lax
from jax.experimental import pallas as pl
from jax.experimental.pallas import tpu as pltpu
from jax.experimental.pallas import tpu_sc as plsc

_N = 100000
_CH = 128
_NT = 16
_NW = 32
_R = 3200
_N2 = _NW * _R
_CHUNK = 128
_NCH = _R // _CHUNK
_BE = 20000
_GE = _N // _BE
_BM = 640
_GM = _R // _BM

_DN = (((0,), (0,)), ((), ()))

_mesh = lambda: plsc.VectorSubcoreMesh(core_axis_name="c", subcore_axis_name="s")


def _sc_compact_gather(nt_hbm, x_hbm, itemv_hbm, idx_out, cnt_out, xc_out,
                       ntv, itv, idx_loc, xbuf, cntv, sem):
    wid = lax.axis_index("s") * 2 + lax.axis_index("c")
    base = wid * _R
    pltpu.sync_copy(itemv_hbm, itv)
    item_vec = itv[...]
    pltpu.sync_copy(nt_hbm.at[pl.ds(base, _R)], ntv)

    def chunk_body(c, cnt_vec):
        for j in range(_CHUNK // 16):
            v = ntv[pl.ds(c * _CHUNK + j * 16, 16)]
            m = v == item_vec
            pos = cnt_vec + plsc.cumsum(m.astype(jnp.int32)) - 1
            glob = base + c * _CHUNK + j * 16 + lax.iota(jnp.int32, 16)
            plsc.store_scatter(idx_loc, [pos >> 7, pos & 127], glob, mask=m)
            cnt_vec = cnt_vec + plsc.all_reduce_population_count(m)
        return cnt_vec
    cnt_vec = lax.fori_loop(0, _NCH, chunk_body, jnp.zeros((16,), jnp.int32))
    cnt = jnp.max(cnt_vec)

    @pl.when(cnt > 0)
    def _pad():
        lvec = jnp.full((16,), cnt - 1, jnp.int32)
        last = plsc.load_gather(idx_loc, [lvec >> 7, lvec & 127])
        astart = (cnt // 16) * 16
        pad_end = ((cnt + _CHUNK - 1) // _CHUNK) * _CHUNK
        for k in range(9):
            pos = astart + k * 16 + lax.iota(jnp.int32, 16)
            m = (pos >= cnt) & (pos < pad_end)
            plsc.store_scatter(idx_loc, [pos >> 7, pos & 127], last, mask=m)

    cntv[...] = cnt_vec
    pltpu.sync_copy(cntv, cnt_out.at[pl.ds(wid * 16, 16)])
    pltpu.sync_copy(idx_loc.at[pl.ds(0, _NCH)], idx_out.at[wid])

    def gather_body(c, _):
        @pl.when(c * _CHUNK < cnt)
        def _go():
            pltpu.async_copy(x_hbm.at[idx_loc.at[c]], xbuf, sem).wait()
            pltpu.sync_copy(xbuf, xc_out.at[pl.ds(base + c * _CHUNK, _CHUNK)])
        return 0
    lax.fori_loop(0, _NCH, gather_body, 0)


def _sc_scatter(out_ref, linc_hbm, idx_hbm, cnt_hbm, idx2, rows, cntv, sem):
    wid = lax.axis_index("s") * 2 + lax.axis_index("c")
    base = wid * _R
    pltpu.sync_copy(cnt_hbm.at[pl.ds(wid * 16, 16)], cntv)
    cnt = jnp.max(cntv[...])
    pltpu.sync_copy(idx_hbm.at[wid], idx2)

    def scatter_body(c, _):
        @pl.when(c * _CHUNK < cnt)
        def _go():
            pltpu.sync_copy(linc_hbm.at[pl.ds(base + c * _CHUNK, _CHUNK)], rows)
            pltpu.async_copy(rows, out_ref.at[idx2.at[c]], sem).wait()
        return 0
    lax.fori_loop(0, _NCH, scatter_body, 0)


def _tc_emb_body(nt_ref, emb_ref, out_ref):
    nt_row = nt_ref[0]
    ohT = (nt_row == lax.broadcasted_iota(jnp.int32, (_NT, _BE), 0)
           ).astype(jnp.float32)
    out_ref[...] = lax.dot_general(ohT, emb_ref[...], _DN,
                                   preferred_element_type=jnp.float32)


def _tc_mm_body(cnt_ref, x_ref, wt_ref, b_ref, o_ref):
    w = pl.program_id(0)
    j = pl.program_id(1)
    jmax = jnp.maximum((cnt_ref[w * 16] + _BM - 1) // _BM - 1, 0)

    @pl.when(j <= jmax)
    def _go():
        o_ref[...] = (jnp.dot(x_ref[...], wt_ref[...],
                              preferred_element_type=jnp.float32) + b_ref[0, :])


def _mm_index(w, j, cnt_ref):
    jmax = jnp.maximum((cnt_ref[w * 16] + _BM - 1) // _BM - 1, 0)
    return (w * _GM + jnp.minimum(j, jmax), 0)


def kernel(x, node_type, item_id, emb_weight, W, b):
    item32 = jnp.asarray(item_id, jnp.int32)
    itemv = jnp.full((16,), item32, jnp.int32)
    padv = (item32 + 1) & (_NT - 1)
    nt_pad = jnp.concatenate(
        [node_type, jnp.full((_N2 - _N,), padv, jnp.int32)])
    wt = W.T
    b2 = b.reshape(1, _CH)

    sc_a = pl.kernel(
        _sc_compact_gather,
        out_type=(
            jax.ShapeDtypeStruct((_NW, _NCH, _CHUNK), jnp.int32),
            jax.ShapeDtypeStruct((_NW * 16,), jnp.int32),
            jax.ShapeDtypeStruct((_N2, _CH), jnp.float32),
        ),
        mesh=_mesh(),
        scratch_types=[
            pltpu.VMEM((_R,), jnp.int32),
            pltpu.VMEM((16,), jnp.int32),
            pltpu.VMEM((_NCH + 1, _CHUNK), jnp.int32),
            pltpu.VMEM((_CHUNK, _CH), jnp.float32),
            pltpu.VMEM((16,), jnp.int32),
            pltpu.SemaphoreType.DMA,
        ],
        compiler_params=pltpu.CompilerParams(needs_layout_passes=False),
    )
    idx_all, counts, xc = sc_a(nt_pad, x, itemv)

    nt2 = node_type.reshape(_GE, 1, _BE)
    out_base = pl.pallas_call(
        _tc_emb_body,
        grid=(_GE,),
        in_specs=[
            pl.BlockSpec((1, 1, _BE), lambda i: (i, 0, 0)),
            pl.BlockSpec((_NT, _CH), lambda i: (0, 0)),
        ],
        out_specs=pl.BlockSpec((_BE, _CH), lambda i: (i, 0)),
        out_shape=jax.ShapeDtypeStruct((_N, _CH), jnp.float32),
        compiler_params=pltpu.CompilerParams(
            dimension_semantics=("arbitrary",),
        ),
    )(nt2, emb_weight)

    linc = pl.pallas_call(
        _tc_mm_body,
        grid_spec=pltpu.PrefetchScalarGridSpec(
            num_scalar_prefetch=1,
            grid=(_NW, _GM),
            in_specs=[
                pl.BlockSpec((_BM, _CH), _mm_index),
                pl.BlockSpec((_CH, _CH), lambda w, j, c: (0, 0)),
                pl.BlockSpec((1, _CH), lambda w, j, c: (0, 0)),
            ],
            out_specs=pl.BlockSpec((_BM, _CH), _mm_index),
        ),
        out_shape=jax.ShapeDtypeStruct((_N2, _CH), jnp.float32),
        compiler_params=pltpu.CompilerParams(
            dimension_semantics=("arbitrary", "arbitrary"),
        ),
    )(counts, xc, wt, b2)

    out_ref = jax.new_ref(out_base)
    sc_c = pl.kernel(
        _sc_scatter,
        out_type=(),
        mesh=_mesh(),
        scratch_types=[
            pltpu.VMEM((_NCH, _CHUNK), jnp.int32),
            pltpu.VMEM((_CHUNK, _CH), jnp.float32),
            pltpu.VMEM((16,), jnp.int32),
            pltpu.SemaphoreType.DMA,
        ],
        compiler_params=pltpu.CompilerParams(needs_layout_passes=False),
    )
    sc_c(out_ref, linc, idx_all, counts)
    return out_ref[...]

# --- scband reference (transcript-rebuilt; emitter-appended) ---
"""Pipeline reference for scband-node-transformation-76501957476874 (READ-ONLY COPY).

The authoritative reference and input builder live on the scoring server;
editing this copy changes nothing except your own understanding.
"""

import jax, jax.numpy as jnp
import numpy as np

N = 100000
IN_CH = 128
HID = 128
N_TYPES = 16

def setup_inputs(seed: int = 0) -> dict:
    key = jax.random.key(seed)
    k1, k2, k3, k4 = jax.random.split(key, 4)
    x = jax.random.normal(k1, (N, IN_CH), dtype=jnp.float32)
    node_type = jax.random.randint(k2, (N,), 0, N_TYPES, dtype=jnp.int32)
    emb_weight = jax.random.normal(k3, (N_TYPES, HID), dtype=jnp.float32) * 0.1
    W = jax.random.normal(k4, (HID, IN_CH), dtype=jnp.float32) * (1.0 / np.sqrt(IN_CH))
    b = jnp.zeros((HID,), dtype=jnp.float32)
    return {"x": x, "node_type": node_type, "item_id": 3, "emb_weight": emb_weight, "W": W, "b": b}

def reference(x, node_type, item_id, emb_weight, W, b):
    # output = self.node_embedding(node_type)  -> gather rows from embedding table
    output = jnp.take(emb_weight, node_type, axis=0)
    # output[node_index] = self.linear(x[node_index])  -> masked overwrite
    # Computing the linear for all rows then selecting via where is mathematically
    # identical to the torch index-select + scatter-overwrite (same values at
    # selected rows, untouched embedding rows elsewhere).
    lin = x @ W.T + b
    mask = (node_type == item_id)[:, None]
    return jnp.where(mask, lin, output)

if __name__ == "__main__":
    import jax
    _d = setup_inputs()
    print(jax.jit(kernel)(*tuple(_d.values())))

</pallas_src>

<mosaic_0001>
#map = affine_map<(d0, d1) -> (0, 0)>
#map1 = affine_map<(d0, d1) -> (0, 0, 0)>
#map2 = affine_map<(d0, d1) -> (0)>
module attributes {stable_mosaic.version = 14 : i64} {
  func.func @new_body(%arg0: i32, %arg1: i32, %arg2: memref<100000x128xf32, #tpu.memory_space<hbm>>, %arg3: memref<102400x128xf32, #tpu.memory_space<hbm>>, %arg4: memref<32x25x128xi32, #tpu.memory_space<hbm>>, %arg5: memref<512xi32, #tpu.memory_space<hbm>>, %arg6: memref<100000x128xf32, #tpu.memory_space<hbm>>, %arg7: memref<25x128xi32, #tpu.memory_space<vmem>>, %arg8: memref<128x128xf32, #tpu.memory_space<vmem>>, %arg9: memref<16xi32, #tpu.memory_space<vmem>>, %arg10: memref<!tpu.dma_semaphore, #tpu.memory_space<semaphore_mem>>) attributes {dimension_semantics = [#tpu.dimension_semantics<core_parallel>, #tpu.dimension_semantics<subcore_parallel>], iteration_bounds = array<i64: 2, 16>, scalar_prefetch = 0 : i64, scratch_operands = 4 : i64, tpu.core_type = #tpu.core_type<sc_vector_subcore>, window_params = [{transform_indices = #map}, {transform_indices = #map}, {transform_indices = #map1}, {transform_indices = #map2}, {transform_indices = #map}]} {
    %mul3A = arith.constant 2 : i32
    %mul3A_0 = arith.muli %arg1, %mul3A : i32
    %add3A = arith.addi %mul3A_0, %arg0 : i32
    %mul3A_1 = arith.constant 3200 : i32
    %mul3A_2 = arith.muli %add3A, %mul3A_1 : i32
    %mul3A_3 = arith.constant 16 : i32
    %mul3A_4 = arith.muli %add3A, %mul3A_3 : i32
    "tpu.region"() ({
      %run_scoped3A = tpu.sem_alloc : memref<!tpu.dma_semaphore, #tpu.memory_space<semaphore_mem>>
      %dma_start3A = tpu.memref_slice %arg5[%mul3A_4] : memref<512xi32, #tpu.memory_space<hbm>> -> memref<16xi32, #tpu.memory_space<hbm>>
      %dma_start3A_19 = tpu.memref_slice %arg5[%mul3A_4] : memref<512xi32, #tpu.memory_space<hbm>> -> memref<16xi32, #tpu.memory_space<hbm>>
      tpu.enqueue_dma source(%dma_start3A_19 : memref<16xi32, #tpu.memory_space<hbm>>) target(%arg9 : memref<16xi32, #tpu.memory_space<vmem>>) target_semaphore(%run_scoped3A : memref<!tpu.dma_semaphore, #tpu.memory_space<semaphore_mem>>)
      %dma_wait3A = tpu.memref_slice %arg5[%mul3A_4] : memref<512xi32, #tpu.memory_space<hbm>> -> memref<16xi32, #tpu.memory_space<hbm>>
      %dma_wait3A_20 = tpu.memref_slice %arg5[%mul3A_4] : memref<512xi32, #tpu.memory_space<hbm>> -> memref<16xi32, #tpu.memory_space<hbm>>
      tpu.wait_dma2 semaphore(%run_scoped3A : memref<!tpu.dma_semaphore, #tpu.memory_space<semaphore_mem>>) src(%dma_wait3A_20 : memref<16xi32, #tpu.memory_space<hbm>>) dst(%arg9 : memref<16xi32, #tpu.memory_space<vmem>>)
      tpu.yield
    }) : () -> ()
    %get3A = arith.constant 0 : index
    %get3A_5 = tpu.vector_load %arg9[%get3A] {strides = array<i32>} : memref<16xi32, #tpu.memory_space<vmem>>, vector<16xi32>,
    %reduce_max3A = arith.constant true
    %reduce_max3A_6 = vector.broadcast %reduce_max3A : i1 to vector<16xi1>
    %reduce_max3A_7 = arith.constant -2147483648 : i32
    %reduce_max3A_8 = vector.broadcast %reduce_max3A_7 : i32 to vector<16xi32>
    %reduce_max3A_9 = arith.xori %get3A_5, %reduce_max3A_8 : vector<16xi32>
    %reduce_max3A_10 = tpu.scan <max>, %reduce_max3A_9 masked %reduce_max3A_6 : vector<16xi32>, vector<16xi1> -> vector<16xi32>
    %reduce_max3A_11 = arith.xori %reduce_max3A_10, %reduce_max3A_8 : vector<16xi32>
    %reduce_max3A_12 = vector.extract %reduce_max3A_11[15] : i32 from vector<16xi32>
    "tpu.region"() ({
      %run_scoped3A = tpu.sem_alloc : memref<!tpu.dma_semaphore, #tpu.memory_space<semaphore_mem>>
      %dma_start3A = arith.constant 0 : i32
      %dma_start3A_19 = arith.constant 0 : i32
      %dma_start3A_20 = tpu.memref_slice %arg4[%add3A, %dma_start3A, %dma_start3A_19] : memref<32x25x128xi32, #tpu.memory_space<hbm>> -> memref<1x25x128xi32, #tpu.memory_space<hbm>>
      %dma_start3A_21 = tpu.memref_squeeze %dma_start3A_20 : memref<1x25x128xi32, #tpu.memory_space<hbm>> -> memref<25x128xi32, #tpu.memory_space<hbm>>
      %dma_start3A_22 = arith.constant 0 : i32
      %dma_start3A_23 = arith.constant 0 : i32
      %dma_start3A_24 = tpu.memref_slice %arg4[%add3A, %dma_start3A_22, %dma_start3A_23] : memref<32x25x128xi32, #tpu.memory_space<hbm>> -> memref<1x25x128xi32, #tpu.memory_space<hbm>>
      %dma_start3A_25 = tpu.memref_squeeze %dma_start3A_24 : memref<1x25x128xi32, #tpu.memory_space<hbm>> -> memref<25x128xi32, #tpu.memory_space<hbm>>
      tpu.enqueue_dma source(%dma_start3A_25 : memref<25x128xi32, #tpu.memory_space<hbm>>) target(%arg7 : memref<25x128xi32, #tpu.memory_space<vmem>>) target_semaphore(%run_scoped3A : memref<!tpu.dma_semaphore, #tpu.memory_space<semaphore_mem>>)
      %dma_wait3A = arith.constant 0 : i32
      %dma_wait3A_26 = arith.constant 0 : i32
      %dma_wait3A_27 = tpu.memref_slice %arg4[%add3A, %dma_wait3A, %dma_wait3A_26] : memref<32x25x128xi32, #tpu.memory_space<hbm>> -> memref<1x25x128xi32, #tpu.memory_space<hbm>>
      %dma_wait3A_28 = tpu.memref_squeeze %dma_wait3A_27 : memref<1x25x128xi32, #tpu.memory_space<hbm>> -> memref<25x128xi32, #tpu.memory_space<hbm>>
      %dma_wait3A_29 = arith.constant 0 : i32
      %dma_wait3A_30 = arith.constant 0 : i32
      %dma_wait3A_31 = tpu.memref_slice %arg4[%add3A, %dma_wait3A_29, %dma_wait3A_30] : memref<32x25x128xi32, #tpu.memory_space<hbm>> -> memref<1x25x128xi32, #tpu.memory_space<hbm>>
      %dma_wait3A_32 = tpu.memref_squeeze %dma_wait3A_31 : memref<1x25x128xi32, #tpu.memory_space<hbm>> -> memref<25x128xi32, #tpu.memory_space<hbm>>
      tpu.wait_dma2 semaphore(%run_scoped3A : memref<!tpu.dma_semaphore, #tpu.memory_space<semaphore_mem>>) src(%dma_wait3A_32 : memref<25x128xi32, #tpu.memory_space<hbm>>) dst(%arg7 : memref<25x128xi32, #tpu.memory_space<vmem>>)
      tpu.yield
    }) : () -> ()
    %scan3A = arith.constant 0 : i32
    %scan3A_13 = arith.constant 0 : i32
    %scan3A_14 = arith.constant 25 : i32
    %scan3A_15 = arith.addi %scan3A_13, %scan3A_14 : i32
    %scan3A_16 = arith.constant 1 : i32
    %scan3A_17 = scf.for %scan3A_19 = %scan3A_13 to %scan3A_15 step %scan3A_16 iter_args(%scan3A_20 = %scan3A) -> (i32)  : i32 {
      %mul3A_21 = arith.constant 128 : i32
      %mul3A_22 = arith.muli %scan3A_19, %mul3A_21 : i32
      %lt3A = arith.cmpi slt, %mul3A_22, %reduce_max3A_12 : i32
      %convert_element_type3A = arith.extui %lt3A : i1 to i32
      %cond3A = arith.constant 0 : i32
      %cond3A_23 = arith.cmpi ne, %convert_element_type3A, %cond3A : i32
      scf.if %cond3A_23 {
        %mul3A_25 = arith.constant 128 : i32
        %mul3A_26 = arith.muli %scan3A_19, %mul3A_25 : i32
        %add3A_27 = arith.addi %mul3A_2, %mul3A_26 : i32
        "tpu.region"() ({
          %run_scoped3A = tpu.sem_alloc : memref<!tpu.dma_semaphore, #tpu.memory_space<semaphore_mem>>
          %dma_start3A_38 = arith.constant 0 : i32
          %dma_start3A_39 = tpu.memref_slice %arg3[%add3A_27, %dma_start3A_38] : memref<102400x128xf32, #tpu.memory_space<hbm>> -> memref<128x128xf32, #tpu.memory_space<hbm>>
          %dma_start3A_40 = arith.constant 0 : i32
          %dma_start3A_41 = tpu.memref_slice %arg3[%add3A_27, %dma_start3A_40] : memref<102400x128xf32, #tpu.memory_space<hbm>> -> memref<128x128xf32, #tpu.memory_space<hbm>>
          tpu.enqueue_dma source(%dma_start3A_41 : memref<128x128xf32, #tpu.memory_space<hbm>>) target(%arg8 : memref<128x128xf32, #tpu.memory_space<vmem>>) target_semaphore(%run_scoped3A : memref<!tpu.dma_semaphore, #tpu.memory_space<semaphore_mem>>)
          %dma_wait3A_42 = arith.constant 0 : i32
          %dma_wait3A_43 = tpu.memref_slice %arg3[%add3A_27, %dma_wait3A_42] : memref<102400x128xf32, #tpu.memory_space<hbm>> -> memref<128x128xf32, #tpu.memory_space<hbm>>
          %dma_wait3A_44 = arith.constant 0 : i32
          %dma_wait3A_45 = tpu.memref_slice %arg3[%add3A_27, %dma_wait3A_44] : memref<102400x128xf32, #tpu.memory_space<hbm>> -> memref<128x128xf32, #tpu.memory_space<hbm>>
          tpu.wait_dma2 semaphore(%run_scoped3A : memref<!tpu.dma_semaphore, #tpu.memory_space<semaphore_mem>>) src(%dma_wait3A_45 : memref<128x128xf32, #tpu.memory_space<hbm>>) dst(%arg8 : memref<128x128xf32, #tpu.memory_space<vmem>>)
          tpu.yield
        }) : () -> ()
        %dma_start3A = arith.constant 0 : i32
        %dma_start3A_28 = tpu.memref_slice %arg7[%scan3A_19, %dma_start3A] : memref<25x128xi32, #tpu.memory_space<vmem>> -> memref<1x128xi32, #tpu.memory_space<vmem>>
        %dma_start3A_29 = tpu.memref_squeeze %dma_start3A_28 : memref<1x128xi32, #tpu.memory_space<vmem>> -> memref<128xi32, #tpu.memory_space<vmem>>
        %dma_start3A_30 = arith.constant 0 : i32
        %dma_start3A_31 = arith.constant 0 : i32
        %dma_start3A_32 = tpu.memref_slice %arg2[%dma_start3A_30, %dma_start3A_31] : memref<100000x128xf32, #tpu.memory_space<hbm>> -> memref<100000x128xf32, #tpu.memory_space<hbm>>
        tpu.enqueue_indirect_dma source(%arg8 : memref<128x128xf32, #tpu.memory_space<vmem>>) target(%dma_start3A_32 : memref<100000x128xf32, #tpu.memory_space<hbm>>) offsets(%dma_start3A_29 : memref<128xi32, #tpu.memory_space<vmem>>) semaphore(%arg10 : memref<!tpu.dma_semaphore, #tpu.memory_space<semaphore_mem>>)
        %dma_wait3A = arith.constant 0 : i32
        %dma_wait3A_33 = tpu.memref_slice %arg7[%scan3A_19, %dma_wait3A] : memref<25x128xi32, #tpu.memory_space<vmem>> -> memref<1x128xi32, #tpu.memory_space<vmem>>
        %dma_wait3A_34 = tpu.memref_squeeze %dma_wait3A_33 : memref<1x128xi32, #tpu.memory_space<vmem>> -> memref<128xi32, #tpu.memory_space<vmem>>
        %dma_wait3A_35 = arith.constant 0 : i32
        %dma_wait3A_36 = arith.constant 0 : i32
        %dma_wait3A_37 = tpu.memref_slice %arg2[%dma_wait3A_35, %dma_wait3A_36] : memref<100000x128xf32, #tpu.memory_space<hbm>> -> memref<100000x128xf32, #tpu.memory_space<hbm>>
        tpu.wait_indirect_dma semaphore(%arg10 : memref<!tpu.dma_semaphore, #tpu.memory_space<semaphore_mem>>) src(%arg8 : memref<128x128xf32, #tpu.memory_space<vmem>>) dst(%dma_wait3A_37 : memref<100000x128xf32, #tpu.memory_space<hbm>>)
      } else {
      }
      %scan3A_24 = arith.constant 0 : i32
      scf.yield %scan3A_24 : i32
    }
    %scan3A_18 = arith.constant 25 : i32
    return
  }
}

#map = affine_map<(d0, d1) -> (0)>
#map1 = affine_map<(d0, d1) -> (0, 0)>
#map2 = affine_map<(d0, d1) -> (0, 0, 0)>
module attributes {stable_mosaic.version = 14 : i64} {
  func.func @_sc_compact_gather(%arg0: i32, %arg1: i32, %arg2: memref<102400xi32, #tpu.memory_space<hbm>>, %arg3: memref<100000x128xf32, #tpu.memory_space<hbm>>, %arg4: memref<16xi32, #tpu.memory_space<hbm>>, %arg5: memref<32x25x128xi32, #tpu.memory_space<hbm>>, %arg6: memref<512xi32, #tpu.memory_space<hbm>>, %arg7: memref<102400x128xf32, #tpu.memory_space<hbm>>, %arg8: memref<3200xi32, #tpu.memory_space<vmem>>, %arg9: memref<16xi32, #tpu.memory_space<vmem>>, %arg10: memref<26x128xi32, #tpu.memory_space<vmem>>, %arg11: memref<128x128xf32, #tpu.memory_space<vmem>>, %arg12: memref<16xi32, #tpu.memory_space<vmem>>, %arg13: memref<!tpu.dma_semaphore, #tpu.memory_space<semaphore_mem>>) attributes {dimension_semantics = [#tpu.dimension_semantics<core_parallel>, #tpu.dimension_semantics<subcore_parallel>], iteration_bounds = array<i64: 2, 16>, scalar_prefetch = 0 : i64, scratch_operands = 6 : i64, tpu.core_type = #tpu.core_type<sc_vector_subcore>, window_params = [{transform_indices = #map}, {transform_indices = #map1}, {transform_indices = #map}, {transform_indices = #map2}, {transform_indices = #map}, {transform_indices = #map1}]} {
    %mul3A = arith.constant 2 : i32
    %mul3A_0 = arith.muli %arg1, %mul3A : i32
    %add3A = arith.addi %mul3A_0, %arg0 : i32
    %mul3A_1 = arith.constant 3200 : i32
    %mul3A_2 = arith.muli %add3A, %mul3A_1 : i32
    "tpu.region"() ({
      %run_scoped3A = tpu.sem_alloc : memref<!tpu.dma_semaphore, #tpu.memory_space<semaphore_mem>>
      tpu.enqueue_dma source(%arg4 : memref<16xi32, #tpu.memory_space<hbm>>) target(%arg9 : memref<16xi32, #tpu.memory_space<vmem>>) target_semaphore(%run_scoped3A : memref<!tpu.dma_semaphore, #tpu.memory_space<semaphore_mem>>)
      tpu.wait_dma2 semaphore(%run_scoped3A : memref<!tpu.dma_semaphore, #tpu.memory_space<semaphore_mem>>) src(%arg4 : memref<16xi32, #tpu.memory_space<hbm>>) dst(%arg9 : memref<16xi32, #tpu.memory_space<vmem>>)
      tpu.yield
    }) : () -> ()
    %get3A = arith.constant 0 : index
    %get3A_3 = tpu.vector_load %arg9[%get3A] {strides = array<i32>} : memref<16xi32, #tpu.memory_space<vmem>>, vector<16xi32>,
    "tpu.region"() ({
      %run_scoped3A = tpu.sem_alloc : memref<!tpu.dma_semaphore, #tpu.memory_space<semaphore_mem>>
      %dma_start3A = tpu.memref_slice %arg2[%mul3A_2] : memref<102400xi32, #tpu.memory_space<hbm>> -> memref<3200xi32, #tpu.memory_space<hbm>>
      %dma_start3A_29 = tpu.memref_slice %arg2[%mul3A_2] : memref<102400xi32, #tpu.memory_space<hbm>> -> memref<3200xi32, #tpu.memory_space<hbm>>
      tpu.enqueue_dma source(%dma_start3A_29 : memref<3200xi32, #tpu.memory_space<hbm>>) target(%arg8 : memref<3200xi32, #tpu.memory_space<vmem>>) target_semaphore(%run_scoped3A : memref<!tpu.dma_semaphore, #tpu.memory_space<semaphore_mem>>)
      %dma_wait3A = tpu.memref_slice %arg2[%mul3A_2] : memref<102400xi32, #tpu.memory_space<hbm>> -> memref<3200xi32, #tpu.memory_space<hbm>>
      %dma_wait3A_30 = tpu.memref_slice %arg2[%mul3A_2] : memref<102400xi32, #tpu.memory_space<hbm>> -> memref<3200xi32, #tpu.memory_space<hbm>>
      tpu.wait_dma2 semaphore(%run_scoped3A : memref<!tpu.dma_semaphore, #tpu.memory_space<semaphore_mem>>) src(%dma_wait3A_30 : memref<3200xi32, #tpu.memory_space<hbm>>) dst(%arg8 : memref<3200xi32, #tpu.memory_space<vmem>>)
      tpu.yield
    }) : () -> ()
    %broadcast_in_dim3A = arith.constant 0 : i32
    %broadcast_in_dim3A_4 = vector.broadcast %broadcast_in_dim3A : i32 to vector<16xi32>
    %scan3A = arith.constant 0 : i32
    %scan3A_5 = arith.constant 25 : i32
    %scan3A_6 = arith.addi %scan3A, %scan3A_5 : i32
    %scan3A_7 = arith.constant 1 : i32
    %scan3A_8 = scf.for %scan3A_29 = %scan3A to %scan3A_6 step %scan3A_7 iter_args(%scan3A_30 = %broadcast_in_dim3A_4) -> (vector<16xi32>)  : i32 {
      %mul3A_31 = arith.constant 128 : i32
      %mul3A_32 = arith.muli %scan3A_29, %mul3A_31 : i32
      %add3A_33 = arith.constant 0 : i32
      %add3A_34 = arith.addi %mul3A_32, %add3A_33 : i32
      %get3A_35 = arith.index_cast %add3A_34 : i32 to index
      %get3A_36 = tpu.vector_load %arg8[%get3A_35] {strides = array<i32>} : memref<3200xi32, #tpu.memory_space<vmem>>, vector<16xi32>,
      %eq3A = arith.cmpi eq, %get3A_36, %get3A_3 : vector<16xi32>
      %convert_element_type3A_37 = arith.extui %eq3A : vector<16xi1> to vector<16xi32>
      %broadcast_in_dim3A_38 = arith.constant true
      %broadcast_in_dim3A_39 = vector.broadcast %broadcast_in_dim3A_38 : i1 to vector<16xi1>
      %masked_cumsum3A = tpu.scan <sum>, %convert_element_type3A_37 masked %broadcast_in_dim3A_39 : vector<16xi32>, vector<16xi1> -> vector<16xi32>
      %add3A_40 = arith.addi %scan3A_30, %masked_cumsum3A : vector<16xi32>
      %sub3A = arith.constant 1 : i32
      %sub3A_41 = vector.broadcast %sub3A : i32 to vector<16xi32>
      %sub3A_42 = arith.subi %add3A_40, %sub3A_41 : vector<16xi32>
      %mul3A_43 = arith.constant 128 : i32
      %mul3A_44 = arith.muli %scan3A_29, %mul3A_43 : i32
      %add3A_45 = arith.addi %mul3A_2, %mul3A_44 : i32
      %add3A_46 = arith.constant 0 : i32
      %add3A_47 = arith.addi %add3A_45, %add3A_46 : i32
      %iota3A = tpu.iota {dimensions = array<i32: 0>} : vector<16xi32>
      %add3A_48 = vector.broadcast %add3A_47 : i32 to vector<16xi32>
      %add3A_49 = arith.addi %add3A_48, %iota3A : vector<16xi32>
      %shift_right_arithmetic3A = arith.constant 7 : i32
      %shift_right_arithmetic3A_50 = vector.broadcast %shift_right_arithmetic3A : i32 to vector<16xi32>
      %shift_right_arithmetic3A_51 = arith.shrsi %sub3A_42, %shift_right_arithmetic3A_50 : vector<16xi32>
      %and3A = arith.constant 127 : i32
      %and3A_52 = vector.broadcast %and3A : i32 to vector<16xi32>
      %and3A_53 = arith.andi %sub3A_42, %and3A_52 : vector<16xi32>
      tpu.vector_store_idx %arg10[%shift_right_arithmetic3A_51, %and3A_53], %add3A_49 masked %eq3A : memref<26x128xi32, #tpu.memory_space<vmem>>[vector<16xi32>, vector<16xi32>], vector<16xi32>, vector<16xi1>
      %all_reduce_population_count3A = tpu.all_reduce %eq3A {dim = 0 : i64, kind = #tpu.reduction_kind<sum>} : vector<16xi1> -> vector<16xi32>
      %add3A_54 = arith.addi %scan3A_30, %all_reduce_population_count3A : vector<16xi32>
      %mul3A_55 = arith.constant 128 : i32
      %mul3A_56 = arith.muli %scan3A_29, %mul3A_55 : i32
      %add3A_57 = arith.constant 16 : i32
      %add3A_58 = arith.addi %mul3A_56, %add3A_57 : i32
      %get3A_59 = arith.index_cast %add3A_58 : i32 to index
      %get3A_60 = tpu.vector_load %arg8[%get3A_59] {strides = array<i32>} : memref<3200xi32, #tpu.memory_space<vmem>>, vector<16xi32>,
      %eq3A_61 = arith.cmpi eq, %get3A_60, %get3A_3 : vector<16xi32>
      %convert_element_type3A_62 = arith.extui %eq3A_61 : vector<16xi1> to vector<16xi32>
      %broadcast_in_dim3A_63 = arith.constant true
      %broadcast_in_dim3A_64 = vector.broadcast %broadcast_in_dim3A_63 : i1 to vector<16xi1>
      %masked_cumsum3A_65 = tpu.scan <sum>, %convert_element_type3A_62 masked %broadcast_in_dim3A_64 : vector<16xi32>, vector<16xi1> -> vector<16xi32>
      %add3A_66 = arith.addi %add3A_54, %masked_cumsum3A_65 : vector<16xi32>
      %sub3A_67 = arith.constant 1 : i32
      %sub3A_68 = vector.broadcast %sub3A_67 : i32 to vector<16xi32>
      %sub3A_69 = arith.subi %add3A_66, %sub3A_68 : vector<16xi32>
      %mul3A_70 = arith.constant 128 : i32
      %mul3A_71 = arith.muli %scan3A_29, %mul3A_70 : i32
      %add3A_72 = arith.addi %mul3A_2, %mul3A_71 : i32
      %add3A_73 = arith.constant 16 : i32
      %add3A_74 = arith.addi %add3A_72, %add3A_73 : i32
      %iota3A_75 = tpu.iota {dimensions = array<i32: 0>} : vector<16xi32>
      %add3A_76 = vector.broadcast %add3A_74 : i32 to vector<16xi32>
      %add3A_77 = arith.addi %add3A_76, %iota3A_75 : vector<16xi32>
      %shift_right_arithmetic3A_78 = arith.constant 7 : i32
      %shift_right_arithmetic3A_79 = vector.broadcast %shift_right_arithmetic3A_78 : i32 to vector<16xi32>
      %shift_right_arithmetic3A_80 = arith.shrsi %sub3A_69, %shift_right_arithmetic3A_79 : vector<16xi32>
      %and3A_81 = arith.constant 127 : i32
      %and3A_82 = vector.broadcast %and3A_81 : i32 to vector<16xi32>
      %and3A_83 = arith.andi %sub3A_69, %and3A_82 : vector<16xi32>
      tpu.vector_store_idx %arg10[%shift_right_arithmetic3A_80, %and3A_83], %add3A_77 masked %eq3A_61 : memref<26x128xi32, #tpu.memory_space<vmem>>[vector<16xi32>, vector<16xi32>], vector<16xi32>, vector<16xi1>
      %all_reduce_population_count3A_84 = tpu.all_reduce %eq3A_61 {dim = 0 : i64, kind = #tpu.reduction_kind<sum>} : vector<16xi1> -> vector<16xi32>
      %add3A_85 = arith.addi %add3A_54, %all_reduce_population_count3A_84 : vector<16xi32>
      %mul3A_86 = arith.constant 128 : i32
      %mul3A_87 = arith.muli %scan3A_29, %mul3A_86 : i32
      %add3A_88 = arith.constant 32 : i32
      %add3A_89 = arith.addi %mul3A_87, %add3A_88 : i32
      %get3A_90 = arith.index_cast %add3A_89 : i32 to index
      %get3A_91 = tpu.vector_load %arg8[%get3A_90] {strides = array<i32>} : memref<3200xi32, #tpu.memory_space<vmem>>, vector<16xi32>,
      %eq3A_92 = arith.cmpi eq, %get3A_91, %get3A_3 : vector<16xi32>
      %convert_element_type3A_93 = arith.extui %eq3A_92 : vector<16xi1> to vector<16xi32>
      %broadcast_in_dim3A_94 = arith.constant true
      %broadcast_in_dim3A_95 = vector.broadcast %broadcast_in_dim3A_94 : i1 to vector<16xi1>
      %masked_cumsum3A_96 = tpu.scan <sum>, %convert_element_type3A_93 masked %broadcast_in_dim3A_95 : vector<16xi32>, vector<16xi1> -> vector<16xi32>
      %add3A_97 = arith.addi %add3A_85, %masked_cumsum3A_96 : vector<16xi32>
      %sub3A_98 = arith.constant 1 : i32
      %sub3A_99 = vector.broadcast %sub3A_98 : i32 to vector<16xi32>
      %sub3A_100 = arith.subi %add3A_97, %sub3A_99 : vector<16xi32>
      %mul3A_101 = arith.constant 128 : i32
      %mul3A_102 = arith.muli %scan3A_29, %mul3A_101 : i32
      %add3A_103 = arith.addi %mul3A_2, %mul3A_102 : i32
      %add3A_104 = arith.constant 32 : i32
      %add3A_105 = arith.addi %add3A_103, %add3A_104 : i32
      %iota3A_106 = tpu.iota {dimensions = array<i32: 0>} : vector<16xi32>
      %add3A_107 = vector.broadcast %add3A_105 : i32 to vector<16xi32>
      %add3A_108 = arith.addi %add3A_107, %iota3A_106 : vector<16xi32>
      %shift_right_arithmetic3A_109 = arith.constant 7 : i32
      %shift_right_arithmetic3A_110 = vector.broadcast %shift_right_arithmetic3A_109 : i32 to vector<16xi32>
      %shift_right_arithmetic3A_111 = arith.shrsi %sub3A_100, %shift_right_arithmetic3A_110 : vector<16xi32>
      %and3A_112 = arith.constant 127 : i32
      %and3A_113 = vector.broadcast %and3A_112 : i32 to vector<16xi32>
      %and3A_114 = arith.andi %sub3A_100, %and3A_113 : vector<16xi32>
      tpu.vector_store_idx %arg10[%shift_right_arithmetic3A_111, %and3A_114], %add3A_108 masked %eq3A_92 : memref<26x128xi32, #tpu.memory_space<vmem>>[vector<16xi32>, vector<16xi32>], vector<16xi32>, vector<16xi1>
      %all_reduce_population_count3A_115 = tpu.all_reduce %eq3A_92 {dim = 0 : i64, kind = #tpu.reduction_kind<sum>} : vector<16xi1> -> vector<16xi32>
      %add3A_116 = arith.addi %add3A_85, %all_reduce_population_count3A_115 : vector<16xi32>
      %mul3A_117 = arith.constant 128 : i32
      %mul3A_118 = arith.muli %scan3A_29, %mul3A_117 : i32
      %add3A_119 = arith.constant 48 : i32
      %add3A_120 = arith.addi %mul3A_118, %add3A_119 : i32
      %get3A_121 = arith.index_cast %add3A_120 : i32 to index
      %get3A_122 = tpu.vector_load %arg8[%get3A_121] {strides = array<i32>} : memref<3200xi32, #tpu.memory_space<vmem>>, vector<16xi32>,
      %eq3A_123 = arith.cmpi eq, %get3A_122, %get3A_3 : vector<16xi32>
      %convert_element_type3A_124 = arith.extui %eq3A_123 : vector<16xi1> to vector<16xi32>
      %broadcast_in_dim3A_125 = arith.constant true
      %broadcast_in_dim3A_126 = vector.broadcast %broadcast_in_dim3A_125 : i1 to vector<16xi1>
      %masked_cumsum3A_127 = tpu.scan <sum>, %convert_element_type3A_124 masked %broadcast_in_dim3A_126 : vector<16xi32>, vector<16xi1> -> vector<16xi32>
      %add3A_128 = arith.addi %add3A_116, %masked_cumsum3A_127 : vector<16xi32>
      %sub3A_129 = arith.constant 1 : i32
      %sub3A_130 = vector.broadcast %sub3A_129 : i32 to vector<16xi32>
      %sub3A_131 = arith.subi %add3A_128, %sub3A_130 : vector<16xi32>
      %mul3A_132 = arith.constant 128 : i32
      %mul3A_133 = arith.muli %scan3A_29, %mul3A_132 : i32
      %add3A_134 = arith.addi %mul3A_2, %mul3A_133 : i32
      %add3A_135 = arith.constant 48 : i32
      %add3A_136 = arith.addi %add3A_134, %add3A_135 : i32
      %iota3A_137 = tpu.iota {dimensions = array<i32: 0>} : vector<16xi32>
      %add3A_138 = vector.broadcast %add3A_136 : i32 to vector<16xi32>
      %add3A_139 = arith.addi %add3A_138, %iota3A_137 : vector<16xi32>
      %shift_right_arithmetic3A_140 = arith.constant 7 : i32
      %shift_right_arithmetic3A_141 = vector.broadcast %shift_right_arithmetic3A_140 : i32 to vector<16xi32>
      %shift_right_arithmetic3A_142 = arith.shrsi %sub3A_131, %shift_right_arithmetic3A_141 : vector<16xi32>
      %and3A_143 = arith.constant 127 : i32
      %and3A_144 = vector.broadcast %and3A_143 : i32 to vector<16xi32>
      %and3A_145 = arith.andi %sub3A_131, %and3A_144 : vector<16xi32>
      tpu.vector_store_idx %arg10[%shift_right_arithmetic3A_142, %and3A_145], %add3A_139 masked %eq3A_123 : memref<26x128xi32, #tpu.memory_space<vmem>>[vector<16xi32>, vector<16xi32>], vector<16xi32>, vector<16xi1>
      %all_reduce_population_count3A_146 = tpu.all_reduce %eq3A_123 {dim = 0 : i64, kind = #tpu.reduction_kind<sum>} : vector<16xi1> -> vector<16xi32>
      %add3A_147 = arith.addi %add3A_116, %all_reduce_population_count3A_146 : vector<16xi32>
      %mul3A_148 = arith.constant 128 : i32
      %mul3A_149 = arith.muli %scan3A_29, %mul3A_148 : i32
      %add3A_150 = arith.constant 64 : i32
      %add3A_151 = arith.addi %mul3A_149, %add3A_150 : i32
      %get3A_152 = arith.index_cast %add3A_151 : i32 to index
      %get3A_153 = tpu.vector_load %arg8[%get3A_152] {strides = array<i32>} : memref<3200xi32, #tpu.memory_space<vmem>>, vector<16xi32>,
      %eq3A_154 = arith.cmpi eq, %get3A_153, %get3A_3 : vector<16xi32>
      %convert_element_type3A_155 = arith.extui %eq3A_154 : vector<16xi1> to vector<16xi32>
      %broadcast_in_dim3A_156 = arith.constant true
      %broadcast_in_dim3A_157 = vector.broadcast %broadcast_in_dim3A_156 : i1 to vector<16xi1>
      %masked_cumsum3A_158 = tpu.scan <sum>, %convert_element_type3A_155 masked %broadcast_in_dim3A_157 : vector<16xi32>, vector<16xi1> -> vector<16xi32>
      %add3A_159 = arith.addi %add3A_147, %masked_cumsum3A_158 : vector<16xi32>
      %sub3A_160 = arith.constant 1 : i32
      %sub3A_161 = vector.broadcast %sub3A_160 : i32 to vector<16xi32>
      %sub3A_162 = arith.subi %add3A_159, %sub3A_161 : vector<16xi32>
      %mul3A_163 = arith.constant 128 : i32
      %mul3A_164 = arith.muli %scan3A_29, %mul3A_163 : i32
      %add3A_165 = arith.addi %mul3A_2, %mul3A_164 : i32
      %add3A_166 = arith.constant 64 : i32
      %add3A_167 = arith.addi %add3A_165, %add3A_166 : i32
      %iota3A_168 = tpu.iota {dimensions = array<i32: 0>} : vector<16xi32>
      %add3A_169 = vector.broadcast %add3A_167 : i32 to vector<16xi32>
      %add3A_170 = arith.addi %add3A_169, %iota3A_168 : vector<16xi32>
      %shift_right_arithmetic3A_171 = arith.constant 7 : i32
      %shift_right_arithmetic3A_172 = vector.broadcast %shift_right_arithmetic3A_171 : i32 to vector<16xi32>
      %shift_right_arithmetic3A_173 = arith.shrsi %sub3A_162, %shift_right_arithmetic3A_172 : vector<16xi32>
      %and3A_174 = arith.constant 127 : i32
      %and3A_175 = vector.broadcast %and3A_174 : i32 to vector<16xi32>
      %and3A_176 = arith.andi %sub3A_162, %and3A_175 : vector<16xi32>
      tpu.vector_store_idx %arg10[%shift_right_arithmetic3A_173, %and3A_176], %add3A_170 masked %eq3A_154 : memref<26x128xi32, #tpu.memory_space<vmem>>[vector<16xi32>, vector<16xi32>], vector<16xi32>, vector<16xi1>
      %all_reduce_population_count3A_177 = tpu.all_reduce %eq3A_154 {dim = 0 : i64, kind = #tpu.reduction_kind<sum>} : vector<16xi1> -> vector<16xi32>
      %add3A_178 = arith.addi %add3A_147, %all_reduce_population_count3A_177 : vector<16xi32>
      %mul3A_179 = arith.constant 128 : i32
      %mul3A_180 = arith.muli %scan3A_29, %mul3A_179 : i32
      %add3A_181 = arith.constant 80 : i32
      %add3A_182 = arith.addi %mul3A_180, %add3A_181 : i32
      %get3A_183 = arith.index_cast %add3A_182 : i32 to index
      %get3A_184 = tpu.vector_load %arg8[%get3A_183] {strides = array<i32>} : memref<3200xi32, #tpu.memory_space<vmem>>, vector<16xi32>,
      %eq3A_185 = arith.cmpi eq, %get3A_184, %get3A_3 : vector<16xi32>
      %convert_element_type3A_186 = arith.extui %eq3A_185 : vector<16xi1> to vector<16xi32>
      %broadcast_in_dim3A_187 = arith.constant true
      %broadcast_in_dim3A_188 = vector.broadcast %broadcast_in_dim3A_187 : i1 to vector<16xi1>
      %masked_cumsum3A_189 = tpu.scan <sum>, %convert_element_type3A_186 masked %broadcast_in_dim3A_188 : vector<16xi32>, vector<16xi1> -> vector<16xi32>
      %add3A_190 = arith.addi %add3A_178, %masked_cumsum3A_189 : vector<16xi32>
      %sub3A_191 = arith.constant 1 : i32
      %sub3A_192 = vector.broadcast %sub3A_191 : i32 to vector<16xi32>
      %sub3A_193 = arith.subi %add3A_190, %sub3A_192 : vector<16xi32>
      %mul3A_194 = arith.constant 128 : i32
      %mul3A_195 = arith.muli %scan3A_29, %mul3A_194 : i32
      %add3A_196 = arith.addi %mul3A_2, %mul3A_195 : i32
      %add3A_197 = arith.constant 80 : i32
      %add3A_198 = arith.addi %add3A_196, %add3A_197 : i32
      %iota3A_199 = tpu.iota {dimensions = array<i32: 0>} : vector<16xi32>
      %add3A_200 = vector.broadcast %add3A_198 : i32 to vector<16xi32>
      %add3A_201 = arith.addi %add3A_200, %iota3A_199 : vector<16xi32>
      %shift_right_arithmetic3A_202 = arith.constant 7 : i32
      %shift_right_arithmetic3A_203 = vector.broadcast %shift_right_arithmetic3A_202 : i32 to vector<16xi32>
      %shift_right_arithmetic3A_204 = arith.shrsi %sub3A_193, %shift_right_arithmetic3A_203 : vector<16xi32>
      %and3A_205 = arith.constant 127 : i32
      %and3A_206 = vector.broadcast %and3A_205 : i32 to vector<16xi32>
      %and3A_207 = arith.andi %sub3A_193, %and3A_206 : vector<16xi32>
      tpu.vector_store_idx %arg10[%shift_right_arithmetic3A_204, %and3A_207], %add3A_201 masked %eq3A_185 : memref<26x128xi32, #tpu.memory_space<vmem>>[vector<16xi32>, vector<16xi32>], vector<16xi32>, vector<16xi1>
      %all_reduce_population_count3A_208 = tpu.all_reduce %eq3A_185 {dim = 0 : i64, kind = #tpu.reduction_kind<sum>} : vector<16xi1> -> vector<16xi32>
      %add3A_209 = arith.addi %add3A_178, %all_reduce_population_count3A_208 : vector<16xi32>
      %mul3A_210 = arith.constant 128 : i32
      %mul3A_211 = arith.muli %scan3A_29, %mul3A_210 : i32
      %add3A_212 = arith.constant 96 : i32
      %add3A_213 = arith.addi %mul3A_211, %add3A_212 : i32
      %get3A_214 = arith.index_cast %add3A_213 : i32 to index
      %get3A_215 = tpu.vector_load %arg8[%get3A_214] {strides = array<i32>} : memref<3200xi32, #tpu.memory_space<vmem>>, vector<16xi32>,
      %eq3A_216 = arith.cmpi eq, %get3A_215, %get3A_3 : vector<16xi32>
      %convert_element_type3A_217 = arith.extui %eq3A_216 : vector<16xi1> to vector<16xi32>
      %broadcast_in_dim3A_218 = arith.constant true
      %broadcast_in_dim3A_219 = vector.broadcast %broadcast_in_dim3A_218 : i1 to vector<16xi1>
      %masked_cumsum3A_220 = tpu.scan <sum>, %convert_element_type3A_217 masked %broadcast_in_dim3A_219 : vector<16xi32>, vector<16xi1> -> vector<16xi32>
      %add3A_221 = arith.addi %add3A_209, %masked_cumsum3A_220 : vector<16xi32>
      %sub3A_222 = arith.constant 1 : i32
      %sub3A_223 = vector.broadcast %sub3A_222 : i32 to vector<16xi32>
      %sub3A_224 = arith.subi %add3A_221, %sub3A_223 : vector<16xi32>
      %mul3A_225 = arith.constant 128 : i32
      %mul3A_226 = arith.muli %scan3A_29, %mul3A_225 : i32
      %add3A_227 = arith.addi %mul3A_2, %mul3A_226 : i32
      %add3A_228 = arith.constant 96 : i32
      %add3A_229 = arith.addi %add3A_227, %add3A_228 : i32
      %iota3A_230 = tpu.iota {dimensions = array<i32: 0>} : vector<16xi32>
      %add3A_231 = vector.broadcast %add3A_229 : i32 to vector<16xi32>
      %add3A_232 = arith.addi %add3A_231, %iota3A_230 : vector<16xi32>
      %shift_right_arithmetic3A_233 = arith.constant 7 : i32
      %shift_right_arithmetic3A_234 = vector.broadcast %shift_right_arithmetic3A_233 : i32 to vector<16xi32>
      %shift_right_arithmetic3A_235 = arith.shrsi %sub3A_224, %shift_right_arithmetic3A_234 : vector<16xi32>
      %and3A_236 = arith.constant 127 : i32
      %and3A_237 = vector.broadcast %and3A_236 : i32 to vector<16xi32>
      %and3A_238 = arith.andi %sub3A_224, %and3A_237 : vector<16xi32>
      tpu.vector_store_idx %arg10[%shift_right_arithmetic3A_235, %and3A_238], %add3A_232 masked %eq3A_216 : memref<26x128xi32, #tpu.memory_space<vmem>>[vector<16xi32>, vector<16xi32>], vector<16xi32>, vector<16xi1>
      %all_reduce_population_count3A_239 = tpu.all_reduce %eq3A_216 {dim = 0 : i64, kind = #tpu.reduction_kind<sum>} : vector<16xi1> -> vector<16xi32>
      %add3A_240 = arith.addi %add3A_209, %all_reduce_population_count3A_239 : vector<16xi32>
      %mul3A_241 = arith.constant 128 : i32
      %mul3A_242 = arith.muli %scan3A_29, %mul3A_241 : i32
      %add3A_243 = arith.constant 112 : i32
      %add3A_244 = arith.addi %mul3A_242, %add3A_243 : i32
      %get3A_245 = arith.index_cast %add3A_244 : i32 to index
      %get3A_246 = tpu.vector_load %arg8[%get3A_245] {strides = array<i32>} : memref<3200xi32, #tpu.memory_space<vmem>>, vector<16xi32>,
      %eq3A_247 = arith.cmpi eq, %get3A_246, %get3A_3 : vector<16xi32>
      %convert_element_type3A_248 = arith.extui %eq3A_247 : vector<16xi1> to vector<16xi32>
      %broadcast_in_dim3A_249 = arith.constant true
      %broadcast_in_dim3A_250 = vector.broadcast %broadcast_in_dim3A_249 : i1 to vector<16xi1>
      %masked_cumsum3A_251 = tpu.scan <sum>, %convert_element_type3A_248 masked %broadcast_in_dim3A_250 : vector<16xi32>, vector<16xi1> -> vector<16xi32>
      %add3A_252 = arith.addi %add3A_240, %masked_cumsum3A_251 : vector<16xi32>
      %sub3A_253 = arith.constant 1 : i32
      %sub3A_254 = vector.broadcast %sub3A_253 : i32 to vector<16xi32>
      %sub3A_255 = arith.subi %add3A_252, %sub3A_254 : vector<16xi32>
      %mul3A_256 = arith.constant 128 : i32
      %mul3A_257 = arith.muli %scan3A_29, %mul3A_256 : i32
      %add3A_258 = arith.addi %mul3A_2, %mul3A_257 : i32
      %add3A_259 = arith.constant 112 : i32
      %add3A_260 = arith.addi %add3A_258, %add3A_259 : i32
      %iota3A_261 = tpu.iota {dimensions = array<i32: 0>} : vector<16xi32>
      %add3A_262 = vector.broadcast %add3A_260 : i32 to vector<16xi32>
      %add3A_263 = arith.addi %add3A_262, %iota3A_261 : vector<16xi32>
      %shift_right_arithmetic3A_264 = arith.constant 7 : i32
      %shift_right_arithmetic3A_265 = vector.broadcast %shift_right_arithmetic3A_264 : i32 to vector<16xi32>
      %shift_right_arithmetic3A_266 = arith.shrsi %sub3A_255, %shift_right_arithmetic3A_265 : vector<16xi32>
      %and3A_267 = arith.constant 127 : i32
      %and3A_268 = vector.broadcast %and3A_267 : i32 to vector<16xi32>
      %and3A_269 = arith.andi %sub3A_255, %and3A_268 : vector<16xi32>
      tpu.vector_store_idx %arg10[%shift_right_arithmetic3A_266, %and3A_269], %add3A_263 masked %eq3A_247 : memref<26x128xi32, #tpu.memory_space<vmem>>[vector<16xi32>, vector<16xi32>], vector<16xi32>, vector<16xi1>
      %all_reduce_population_count3A_270 = tpu.all_reduce %eq3A_247 {dim = 0 : i64, kind = #tpu.reduction_kind<sum>} : vector<16xi1> -> vector<16xi32>
      %add3A_271 = arith.addi %add3A_240, %all_reduce_population_count3A_270 : vector<16xi32>
      scf.yield %add3A_271 : vector<16xi32>
    }
    %scan3A_9 = arith.constant 25 : i32
    %reduce_max3A = arith.constant true
    %reduce_max3A_10 = vector.broadcast %reduce_max3A : i1 to vector<16xi1>
    %reduce_max3A_11 = arith.constant -2147483648 : i32
    %reduce_max3A_12 = vector.broadcast %reduce_max3A_11 : i32 to vector<16xi32>
    %reduce_max3A_13 = arith.xori %scan3A_8, %reduce_max3A_12 : vector<16xi32>
    %reduce_max3A_14 = tpu.scan <max>, %reduce_max3A_13 masked %reduce_max3A_10 : vector<16xi32>, vector<16xi1> -> vector<16xi32>
    %reduce_max3A_15 = arith.xori %reduce_max3A_14, %reduce_max3A_12 : vector<16xi32>
    %reduce_max3A_16 = vector.extract %reduce_max3A_15[15] : i32 from vector<16xi32>
    %gt3A = arith.constant 0 : i32
    %gt3A_17 = arith.cmpi sgt, %reduce_max3A_16, %gt3A : i32
    %convert_element_type3A = arith.extui %gt3A_17 : i1 to i32
    %cond3A = arith.constant 0 : i32
    %cond3A_18 = arith.cmpi ne, %convert_element_type3A, %cond3A : i32
    scf.if %cond3A_18 {
      %sub3A = arith.constant 1 : i32
      %sub3A_29 = arith.subi %reduce_max3A_16, %sub3A : i32
      %broadcast_in_dim3A_30 = vector.broadcast %sub3A_29 : i32 to vector<16xi32>
      %shift_right_arithmetic3A = arith.constant 7 : i32
      %shift_right_arithmetic3A_31 = vector.broadcast %shift_right_arithmetic3A : i32 to vector<16xi32>
      %shift_right_arithmetic3A_32 = arith.shrsi %broadcast_in_dim3A_30, %shift_right_arithmetic3A_31 : vector<16xi32>
      %and3A = arith.constant 127 : i32
      %and3A_33 = vector.broadcast %and3A : i32 to vector<16xi32>
      %and3A_34 = arith.andi %broadcast_in_dim3A_30, %and3A_33 : vector<16xi32>
      %gather3A = tpu.vector_load_idx %arg10[%shift_right_arithmetic3A_32, %and3A_34] : memref<26x128xi32, #tpu.memory_space<vmem>>[vector<16xi32>, vector<16xi32>], vector<16xi32>,
      %jit3A = arith.constant 16 : i32
      %div3A = arith.divsi %reduce_max3A_16, %jit3A : i32
      %sign3A = arith.constant 0 : i32
      %sign3A_35 = arith.cmpi sgt, %reduce_max3A_16, %sign3A : i32
      %sign3A_36 = arith.extui %sign3A_35 : i1 to i32
      %sign3A_37 = arith.constant 0 : i32
      %sign3A_38 = arith.cmpi slt, %reduce_max3A_16, %sign3A_37 : i32
      %sign3A_39 = arith.extui %sign3A_38 : i1 to i32
      %sign3A_40 = arith.subi %sign3A_36, %sign3A_39 : i32
      %sign3A_41 = arith.constant 0 : i32
      %sign3A_42 = arith.cmpi sgt, %jit3A, %sign3A_41 : i32
      %sign3A_43 = arith.extui %sign3A_42 : i1 to i32
      %sign3A_44 = arith.constant 0 : i32
      %sign3A_45 = arith.cmpi slt, %jit3A, %sign3A_44 : i32
      %sign3A_46 = arith.extui %sign3A_45 : i1 to i32
      %sign3A_47 = arith.subi %sign3A_43, %sign3A_46 : i32
      %ne3A = arith.cmpi ne, %sign3A_40, %sign3A_47 : i32
      %rem3A = arith.remsi %reduce_max3A_16, %jit3A : i32
      %ne3A_48 = arith.constant 0 : i32
      %ne3A_49 = arith.cmpi ne, %rem3A, %ne3A_48 : i32
      %and3A_50 = arith.andi %ne3A, %ne3A_49 : i1
      %sub3A_51 = arith.constant 1 : i32
      %sub3A_52 = arith.subi %div3A, %sub3A_51 : i32
      %select_n3A = arith.select %and3A_50, %sub3A_52, %div3A : i32
      %mul3A_53 = arith.constant 16 : i32
      %mul3A_54 = arith.muli %select_n3A, %mul3A_53 : i32
      %add3A_55 = arith.constant 128 : i32
      %add3A_56 = arith.addi %reduce_max3A_16, %add3A_55 : i32
      %sub3A_57 = arith.constant 1 : i32
      %sub3A_58 = arith.subi %add3A_56, %sub3A_57 : i32
      %jit3A_59 = arith.constant 128 : i32
      %div3A_60 = arith.divsi %sub3A_58, %jit3A_59 : i32
      %sign3A_61 = arith.constant 0 : i32
      %sign3A_62 = arith.cmpi sgt, %sub3A_58, %sign3A_61 : i32
      %sign3A_63 = arith.extui %sign3A_62 : i1 to i32
      %sign3A_64 = arith.constant 0 : i32
      %sign3A_65 = arith.cmpi slt, %sub3A_58, %sign3A_64 : i32
      %sign3A_66 = arith.extui %sign3A_65 : i1 to i32
      %sign3A_67 = arith.subi %sign3A_63, %sign3A_66 : i32
      %sign3A_68 = arith.constant 0 : i32
      %sign3A_69 = arith.cmpi sgt, %jit3A_59, %sign3A_68 : i32
      %sign3A_70 = arith.extui %sign3A_69 : i1 to i32
      %sign3A_71 = arith.constant 0 : i32
      %sign3A_72 = arith.cmpi slt, %jit3A_59, %sign3A_71 : i32
      %sign3A_73 = arith.extui %sign3A_72 : i1 to i32
      %sign3A_74 = arith.subi %sign3A_70, %sign3A_73 : i32
      %ne3A_75 = arith.cmpi ne, %sign3A_67, %sign3A_74 : i32
      %rem3A_76 = arith.remsi %sub3A_58, %jit3A_59 : i32
      %ne3A_77 = arith.constant 0 : i32
      %ne3A_78 = arith.cmpi ne, %rem3A_76, %ne3A_77 : i32
      %and3A_79 = arith.andi %ne3A_75, %ne3A_78 : i1
      %sub3A_80 = arith.constant 1 : i32
      %sub3A_81 = arith.subi %div3A_60, %sub3A_80 : i32
      %select_n3A_82 = arith.select %and3A_79, %sub3A_81, %div3A_60 : i32
      %mul3A_83 = arith.constant 128 : i32
      %mul3A_84 = arith.muli %select_n3A_82, %mul3A_83 : i32
      %add3A_85 = arith.constant 0 : i32
      %add3A_86 = arith.addi %mul3A_54, %add3A_85 : i32
      %iota3A = tpu.iota {dimensions = array<i32: 0>} : vector<16xi32>
      %add3A_87 = vector.broadcast %add3A_86 : i32 to vector<16xi32>
      %add3A_88 = arith.addi %add3A_87, %iota3A : vector<16xi32>
      %ge3A = vector.broadcast %reduce_max3A_16 : i32 to vector<16xi32>
      %ge3A_89 = arith.cmpi sge, %add3A_88, %ge3A : vector<16xi32>
      %lt3A = vector.broadcast %mul3A_84 : i32 to vector<16xi32>
      %lt3A_90 = arith.cmpi slt, %add3A_88, %lt3A : vector<16xi32>
      %and3A_91 = arith.andi %ge3A_89, %lt3A_90 : vector<16xi1>
      %shift_right_arithmetic3A_92 = arith.constant 7 : i32
      %shift_right_arithmetic3A_93 = vector.broadcast %shift_right_arithmetic3A_92 : i32 to vector<16xi32>
      %shift_right_arithmetic3A_94 = arith.shrsi %add3A_88, %shift_right_arithmetic3A_93 : vector<16xi32>
      %and3A_95 = arith.constant 127 : i32
      %and3A_96 = vector.broadcast %and3A_95 : i32 to vector<16xi32>
      %and3A_97 = arith.andi %add3A_88, %and3A_96 : vector<16xi32>
      tpu.vector_store_idx %arg10[%shift_right_arithmetic3A_94, %and3A_97], %gather3A masked %and3A_91 : memref<26x128xi32, #tpu.memory_space<vmem>>[vector<16xi32>, vector<16xi32>], vector<16xi32>, vector<16xi1>
      %add3A_98 = arith.constant 16 : i32
      %add3A_99 = arith.addi %mul3A_54, %add3A_98 : i32
      %iota3A_100 = tpu.iota {dimensions = array<i32: 0>} : vector<16xi32>
      %add3A_101 = vector.broadcast %add3A_99 : i32 to vector<16xi32>
      %add3A_102 = arith.addi %add3A_101, %iota3A_100 : vector<16xi32>
      %ge3A_103 = vector.broadcast %reduce_max3A_16 : i32 to vector<16xi32>
      %ge3A_104 = arith.cmpi sge, %add3A_102, %ge3A_103 : vector<16xi32>
      %lt3A_105 = vector.broadcast %mul3A_84 : i32 to vector<16xi32>
      %lt3A_106 = arith.cmpi slt, %add3A_102, %lt3A_105 : vector<16xi32>
      %and3A_107 = arith.andi %ge3A_104, %lt3A_106 : vector<16xi1>
      %shift_right_arithmetic3A_108 = arith.constant 7 : i32
      %shift_right_arithmetic3A_109 = vector.broadcast %shift_right_arithmetic3A_108 : i32 to vector<16xi32>
      %shift_right_arithmetic3A_110 = arith.shrsi %add3A_102, %shift_right_arithmetic3A_109 : vector<16xi32>
      %and3A_111 = arith.constant 127 : i32
      %and3A_112 = vector.broadcast %and3A_111 : i32 to vector<16xi32>
      %and3A_113 = arith.andi %add3A_102, %and3A_112 : vector<16xi32>
      tpu.vector_store_idx %arg10[%shift_right_arithmetic3A_110, %and3A_113], %gather3A masked %and3A_107 : memref<26x128xi32, #tpu.memory_space<vmem>>[vector<16xi32>, vector<16xi32>], vector<16xi32>, vector<16xi1>
      %add3A_114 = arith.constant 32 : i32
      %add3A_115 = arith.addi %mul3A_54, %add3A_114 : i32
      %iota3A_116 = tpu.iota {dimensions = array<i32: 0>} : vector<16xi32>
      %add3A_117 = vector.broadcast %add3A_115 : i32 to vector<16xi32>
      %add3A_118 = arith.addi %add3A_117, %iota3A_116 : vector<16xi32>
      %ge3A_119 = vector.broadcast %reduce_max3A_16 : i32 to vector<16xi32>
      %ge3A_120 = arith.cmpi sge, %add3A_118, %ge3A_119 : vector<16xi32>
      %lt3A_121 = vector.broadcast %mul3A_84 : i32 to vector<16xi32>
      %lt3A_122 = arith.cmpi slt, %add3A_118, %lt3A_121 : vector<16xi32>
      %and3A_123 = arith.andi %ge3A_120, %lt3A_122 : vector<16xi1>
      %shift_right_arithmetic3A_124 = arith.constant 7 : i32
      %shift_right_arithmetic3A_125 = vector.broadcast %shift_right_arithmetic3A_124 : i32 to vector<16xi32>
      %shift_right_arithmetic3A_126 = arith.shrsi %add3A_118, %shift_right_arithmetic3A_125 : vector<16xi32>
      %and3A_127 = arith.constant 127 : i32
      %and3A_128 = vector.broadcast %and3A_127 : i32 to vector<16xi32>
      %and3A_129 = arith.andi %add3A_118, %and3A_128 : vector<16xi32>
      tpu.vector_store_idx %arg10[%shift_right_arithmetic3A_126, %and3A_129], %gather3A masked %and3A_123 : memref<26x128xi32, #tpu.memory_space<vmem>>[vector<16xi32>, vector<16xi32>], vector<16xi32>, vector<16xi1>
      %add3A_130 = arith.constant 48 : i32
      %add3A_131 = arith.addi %mul3A_54, %add3A_130 : i32
      %iota3A_132 = tpu.iota {dimensions = array<i32: 0>} : vector<16xi32>
      %add3A_133 = vector.broadcast %add3A_131 : i32 to vector<16xi32>
      %add3A_134 = arith.addi %add3A_133, %iota3A_132 : vector<16xi32>
      %ge3A_135 = vector.broadcast %reduce_max3A_16 : i32 to vector<16xi32>
      %ge3A_136 = arith.cmpi sge, %add3A_134, %ge3A_135 : vector<16xi32>
      %lt3A_137 = vector.broadcast %mul3A_84 : i32 to vector<16xi32>
      %lt3A_138 = arith.cmpi slt, %add3A_134, %lt3A_137 : vector<16xi32>
      %and3A_139 = arith.andi %ge3A_136, %lt3A_138 : vector<16xi1>
      %shift_right_arithmetic3A_140 = arith.constant 7 : i32
      %shift_right_arithmetic3A_141 = vector.broadcast %shift_right_arithmetic3A_140 : i32 to vector<16xi32>
      %shift_right_arithmetic3A_142 = arith.shrsi %add3A_134, %shift_right_arithmetic3A_141 : vector<16xi32>
      %and3A_143 = arith.constant 127 : i32
      %and3A_144 = vector.broadcast %and3A_143 : i32 to vector<16xi32>
      %and3A_145 = arith.andi %add3A_134, %and3A_144 : vector<16xi32>
      tpu.vector_store_idx %arg10[%shift_right_arithmetic3A_142, %and3A_145], %gather3A masked %and3A_139 : memref<26x128xi32, #tpu.memory_space<vmem>>[vector<16xi32>, vector<16xi32>], vector<16xi32>, vector<16xi1>
      %add3A_146 = arith.constant 64 : i32
      %add3A_147 = arith.addi %mul3A_54, %add3A_146 : i32
      %iota3A_148 = tpu.iota {dimensions = array<i32: 0>} : vector<16xi32>
      %add3A_149 = vector.broadcast %add3A_147 : i32 to vector<16xi32>
      %add3A_150 = arith.addi %add3A_149, %iota3A_148 : vector<16xi32>
      %ge3A_151 = vector.broadcast %reduce_max3A_16 : i32 to vector<16xi32>
      %ge3A_152 = arith.cmpi sge, %add3A_150, %ge3A_151 : vector<16xi32>
      %lt3A_153 = vector.broadcast %mul3A_84 : i32 to vector<16xi32>
      %lt3A_154 = arith.cmpi slt, %add3A_150, %lt3A_153 : vector<16xi32>
      %and3A_155 = arith.andi %ge3A_152, %lt3A_154 : vector<16xi1>
      %shift_right_arithmetic3A_156 = arith.constant 7 : i32
      %shift_right_arithmetic3A_157 = vector.broadcast %shift_right_arithmetic3A_156 : i32 to vector<16xi32>
      %shift_right_arithmetic3A_158 = arith.shrsi %add3A_150, %shift_right_arithmetic3A_157 : vector<16xi32>
      %and3A_159 = arith.constant 127 : i32
      %and3A_160 = vector.broadcast %and3A_159 : i32 to vector<16xi32>
      %and3A_161 = arith.andi %add3A_150, %and3A_160 : vector<16xi32>
      tpu.vector_store_idx %arg10[%shift_right_arithmetic3A_158, %and3A_161], %gather3A masked %and3A_155 : memref<26x128xi32, #tpu.memory_space<vmem>>[vector<16xi32>, vector<16xi32>], vector<16xi32>, vector<16xi1>
      %add3A_162 = arith.constant 80 : i32
      %add3A_163 = arith.addi %mul3A_54, %add3A_162 : i32
      %iota3A_164 = tpu.iota {dimensions = array<i32: 0>} : vector<16xi32>
      %add3A_165 = vector.broadcast %add3A_163 : i32 to vector<16xi32>
      %add3A_166 = arith.addi %add3A_165, %iota3A_164 : vector<16xi32>
      %ge3A_167 = vector.broadcast %reduce_max3A_16 : i32 to vector<16xi32>
      %ge3A_168 = arith.cmpi sge, %add3A_166, %ge3A_167 : vector<16xi32>
      %lt3A_169 = vector.broadcast %mul3A_84 : i32 to vector<16xi32>
      %lt3A_170 = arith.cmpi slt, %add3A_166, %lt3A_169 : vector<16xi32>
      %and3A_171 = arith.andi %ge3A_168, %lt3A_170 : vector<16xi1>
      %shift_right_arithmetic3A_172 = arith.constant 7 : i32
      %shift_right_arithmetic3A_173 = vector.broadcast %shift_right_arithmetic3A_172 : i32 to vector<16xi32>
      %shift_right_arithmetic3A_174 = arith.shrsi %add3A_166, %shift_right_arithmetic3A_173 : vector<16xi32>
      %and3A_175 = arith.constant 127 : i32
      %and3A_176 = vector.broadcast %and3A_175 : i32 to vector<16xi32>
      %and3A_177 = arith.andi %add3A_166, %and3A_176 : vector<16xi32>
      tpu.vector_store_idx %arg10[%shift_right_arithmetic3A_174, %and3A_177], %gather3A masked %and3A_171 : memref<26x128xi32, #tpu.memory_space<vmem>>[vector<16xi32>, vector<16xi32>], vector<16xi32>, vector<16xi1>
      %add3A_178 = arith.constant 96 : i32
      %add3A_179 = arith.addi %mul3A_54, %add3A_178 : i32
      %iota3A_180 = tpu.iota {dimensions = array<i32: 0>} : vector<16xi32>
      %add3A_181 = vector.broadcast %add3A_179 : i32 to vector<16xi32>
      %add3A_182 = arith.addi %add3A_181, %iota3A_180 : vector<16xi32>
      %ge3A_183 = vector.broadcast %reduce_max3A_16 : i32 to vector<16xi32>
      %ge3A_184 = arith.cmpi sge, %add3A_182, %ge3A_183 : vector<16xi32>
      %lt3A_185 = vector.broadcast %mul3A_84 : i32 to vector<16xi32>
      %lt3A_186 = arith.cmpi slt, %add3A_182, %lt3A_185 : vector<16xi32>
      %and3A_187 = arith.andi %ge3A_184, %lt3A_186 : vector<16xi1>
      %shift_right_arithmetic3A_188 = arith.constant 7 : i32
      %shift_right_arithmetic3A_189 = vector.broadcast %shift_right_arithmetic3A_188 : i32 to vector<16xi32>
      %shift_right_arithmetic3A_190 = arith.shrsi %add3A_182, %shift_right_arithmetic3A_189 : vector<16xi32>
      %and3A_191 = arith.constant 127 : i32
      %and3A_192 = vector.broadcast %and3A_191 : i32 to vector<16xi32>
      %and3A_193 = arith.andi %add3A_182, %and3A_192 : vector<16xi32>
      tpu.vector_store_idx %arg10[%shift_right_arithmetic3A_190, %and3A_193], %gather3A masked %and3A_187 : memref<26x128xi32, #tpu.memory_space<vmem>>[vector<16xi32>, vector<16xi32>], vector<16xi32>, vector<16xi1>
      %add3A_194 = arith.constant 112 : i32
      %add3A_195 = arith.addi %mul3A_54, %add3A_194 : i32
      %iota3A_196 = tpu.iota {dimensions = array<i32: 0>} : vector<16xi32>
      %add3A_197 = vector.broadcast %add3A_195 : i32 to vector<16xi32>
      %add3A_198 = arith.addi %add3A_197, %iota3A_196 : vector<16xi32>
      %ge3A_199 = vector.broadcast %reduce_max3A_16 : i32 to vector<16xi32>
      %ge3A_200 = arith.cmpi sge, %add3A_198, %ge3A_199 : vector<16xi32>
      %lt3A_201 = vector.broadcast %mul3A_84 : i32 to vector<16xi32>
      %lt3A_202 = arith.cmpi slt, %add3A_198, %lt3A_201 : vector<16xi32>
      %and3A_203 = arith.andi %ge3A_200, %lt3A_202 : vector<16xi1>
      %shift_right_arithmetic3A_204 = arith.constant 7 : i32
      %shift_right_arithmetic3A_205 = vector.broadcast %shift_right_arithmetic3A_204 : i32 to vector<16xi32>
      %shift_right_arithmetic3A_206 = arith.shrsi %add3A_198, %shift_right_arithmetic3A_205 : vector<16xi32>
      %and3A_207 = arith.constant 127 : i32
      %and3A_208 = vector.broadcast %and3A_207 : i32 to vector<16xi32>
      %and3A_209 = arith.andi %add3A_198, %and3A_208 : vector<16xi32>
      tpu.vector_store_idx %arg10[%shift_right_arithmetic3A_206, %and3A_209], %gather3A masked %and3A_203 : memref<26x128xi32, #tpu.memory_space<vmem>>[vector<16xi32>, vector<16xi32>], vector<16xi32>, vector<16xi1>
      %add3A_210 = arith.constant 128 : i32
      %add3A_211 = arith.addi %mul3A_54, %add3A_210 : i32
      %iota3A_212 = tpu.iota {dimensions = array<i32: 0>} : vector<16xi32>
      %add3A_213 = vector.broadcast %add3A_211 : i32 to vector<16xi32>
      %add3A_214 = arith.addi %add3A_213, %iota3A_212 : vector<16xi32>
      %ge3A_215 = vector.broadcast %reduce_max3A_16 : i32 to vector<16xi32>
      %ge3A_216 = arith.cmpi sge, %add3A_214, %ge3A_215 : vector<16xi32>
      %lt3A_217 = vector.broadcast %mul3A_84 : i32 to vector<16xi32>
      %lt3A_218 = arith.cmpi slt, %add3A_214, %lt3A_217 : vector<16xi32>
      %and3A_219 = arith.andi %ge3A_216, %lt3A_218 : vector<16xi1>
      %shift_right_arithmetic3A_220 = arith.constant 7 : i32
      %shift_right_arithmetic3A_221 = vector.broadcast %shift_right_arithmetic3A_220 : i32 to vector<16xi32>
      %shift_right_arithmetic3A_222 = arith.shrsi %add3A_214, %shift_right_arithmetic3A_221 : vector<16xi32>
      %and3A_223 = arith.constant 127 : i32
      %and3A_224 = vector.broadcast %and3A_223 : i32 to vector<16xi32>
      %and3A_225 = arith.andi %add3A_214, %and3A_224 : vector<16xi32>
      tpu.vector_store_idx %arg10[%shift_right_arithmetic3A_222, %and3A_225], %gather3A masked %and3A_219 : memref<26x128xi32, #tpu.memory_space<vmem>>[vector<16xi32>, vector<16xi32>], vector<16xi32>, vector<16xi1>
    } else {
    }
    %swap3A = arith.constant 0 : index
    %swap3A_19 = tpu.vector_load %arg12[%swap3A] {strides = array<i32>} : memref<16xi32, #tpu.memory_space<vmem>>, vector<16xi32>,
    tpu.vector_store %arg12[%swap3A], %scan3A_8 {strides = array<i32>} : memref<16xi32, #tpu.memory_space<vmem>>, vector<16xi32>,
    %mul3A_20 = arith.constant 16 : i32
    %mul3A_21 = arith.muli %add3A, %mul3A_20 : i32
    "tpu.region"() ({
      %run_scoped3A = tpu.sem_alloc : memref<!tpu.dma_semaphore, #tpu.memory_space<semaphore_mem>>
      %dma_start3A = tpu.memref_slice %arg6[%mul3A_21] : memref<512xi32, #tpu.memory_space<hbm>> -> memref<16xi32, #tpu.memory_space<hbm>>
      %dma_start3A_29 = tpu.memref_slice %arg6[%mul3A_21] : memref<512xi32, #tpu.memory_space<hbm>> -> memref<16xi32, #tpu.memory_space<hbm>>
      tpu.enqueue_dma source(%arg12 : memref<16xi32, #tpu.memory_space<vmem>>) target(%dma_start3A_29 : memref<16xi32, #tpu.memory_space<hbm>>) target_semaphore(%run_scoped3A : memref<!tpu.dma_semaphore, #tpu.memory_space<semaphore_mem>>)
      %dma_wait3A = tpu.memref_slice %arg6[%mul3A_21] : memref<512xi32, #tpu.memory_space<hbm>> -> memref<16xi32, #tpu.memory_space<hbm>>
      %dma_wait3A_30 = tpu.memref_slice %arg6[%mul3A_21] : memref<512xi32, #tpu.memory_space<hbm>> -> memref<16xi32, #tpu.memory_space<hbm>>
      tpu.wait_dma2 semaphore(%run_scoped3A : memref<!tpu.dma_semaphore, #tpu.memory_space<semaphore_mem>>) src(%arg12 : memref<16xi32, #tpu.memory_space<vmem>>) dst(%dma_wait3A_30 : memref<16xi32, #tpu.memory_space<hbm>>)
      tpu.yield
    }) : () -> ()
    "tpu.region"() ({
      %run_scoped3A = tpu.sem_alloc : memref<!tpu.dma_semaphore, #tpu.memory_space<semaphore_mem>>
      %dma_start3A = arith.constant 0 : i32
      %dma_start3A_29 = arith.constant 0 : i32
      %dma_start3A_30 = tpu.memref_slice %arg10[%dma_start3A, %dma_start3A_29] : memref<26x128xi32, #tpu.memory_space<vmem>> -> memref<25x128xi32, #tpu.memory_space<vmem>>
      %dma_start3A_31 = arith.constant 0 : i32
      %dma_start3A_32 = arith.constant 0 : i32
      %dma_start3A_33 = tpu.memref_slice %arg5[%add3A, %dma_start3A_31, %dma_start3A_32] : memref<32x25x128xi32, #tpu.memory_space<hbm>> -> memref<1x25x128xi32, #tpu.memory_space<hbm>>
      %dma_start3A_34 = tpu.memref_squeeze %dma_start3A_33 : memref<1x25x128xi32, #tpu.memory_space<hbm>> -> memref<25x128xi32, #tpu.memory_space<hbm>>
      %dma_start3A_35 = arith.constant 0 : i32
      %dma_start3A_36 = arith.constant 0 : i32
      %dma_start3A_37 = tpu.memref_slice %arg5[%add3A, %dma_start3A_35, %dma_start3A_36] : memref<32x25x128xi32, #tpu.memory_space<hbm>> -> memref<1x25x128xi32, #tpu.memory_space<hbm>>
      %dma_start3A_38 = tpu.memref_squeeze %dma_start3A_37 : memref<1x25x128xi32, #tpu.memory_space<hbm>> -> memref<25x128xi32, #tpu.memory_space<hbm>>
      %dma_start3A_39 = arith.constant 0 : i32
      %dma_start3A_40 = arith.constant 0 : i32
      %dma_start3A_41 = tpu.memref_slice %arg10[%dma_start3A_39, %dma_start3A_40] : memref<26x128xi32, #tpu.memory_space<vmem>> -> memref<25x128xi32, #tpu.memory_space<vmem>>
      tpu.enqueue_dma source(%dma_start3A_41 : memref<25x128xi32, #tpu.memory_space<vmem>>) target(%dma_start3A_38 : memref<25x128xi32, #tpu.memory_space<hbm>>) target_semaphore(%run_scoped3A : memref<!tpu.dma_semaphore, #tpu.memory_space<semaphore_mem>>)
      %dma_wait3A = arith.constant 0 : i32
      %dma_wait3A_42 = arith.constant 0 : i32
      %dma_wait3A_43 = tpu.memref_slice %arg10[%dma_wait3A, %dma_wait3A_42] : memref<26x128xi32, #tpu.memory_space<vmem>> -> memref<25x128xi32, #tpu.memory_space<vmem>>
      %dma_wait3A_44 = arith.constant 0 : i32
      %dma_wait3A_45 = arith.constant 0 : i32
      %dma_wait3A_46 = tpu.memref_slice %arg5[%add3A, %dma_wait3A_44, %dma_wait3A_45] : memref<32x25x128xi32, #tpu.memory_space<hbm>> -> memref<1x25x128xi32, #tpu.memory_space<hbm>>
      %dma_wait3A_47 = tpu.memref_squeeze %dma_wait3A_46 : memref<1x25x128xi32, #tpu.memory_space<hbm>> -> memref<25x128xi32, #tpu.memory_space<hbm>>
      %dma_wait3A_48 = arith.constant 0 : i32
      %dma_wait3A_49 = arith.constant 0 : i32
      %dma_wait3A_50 = tpu.memref_slice %arg5[%add3A, %dma_wait3A_48, %dma_wait3A_49] : memref<32x25x128xi32, #tpu.memory_space<hbm>> -> memref<1x25x128xi32, #tpu.memory_space<hbm>>
      %dma_wait3A_51 = tpu.memref_squeeze %dma_wait3A_50 : memref<1x25x128xi32, #tpu.memory_space<hbm>> -> memref<25x128xi32, #tpu.memory_space<hbm>>
      %dma_wait3A_52 = arith.constant 0 : i32
      %dma_wait3A_53 = arith.constant 0 : i32
      %dma_wait3A_54 = tpu.memref_slice %arg10[%dma_wait3A_52, %dma_wait3A_53] : memref<26x128xi32, #tpu.memory_space<vmem>> -> memref<25x128xi32, #tpu.memory_space<vmem>>
      tpu.wait_dma2 semaphore(%run_scoped3A : memref<!tpu.dma_semaphore, #tpu.memory_space<semaphore_mem>>) src(%dma_wait3A_54 : memref<25x128xi32, #tpu.memory_space<vmem>>) dst(%dma_wait3A_51 : memref<25x128xi32, #tpu.memory_space<hbm>>)
      tpu.yield
    }) : () -> ()
    %scan3A_22 = arith.constant 0 : i32
    %scan3A_23 = arith.constant 0 : i32
    %scan3A_24 = arith.constant 25 : i32
    %scan3A_25 = arith.addi %scan3A_23, %scan3A_24 : i32
    %scan3A_26 = arith.constant 1 : i32
    %scan3A_27 = scf.for %scan3A_29 = %scan3A_23 to %scan3A_25 step %scan3A_26 iter_args(%scan3A_30 = %scan3A_22) -> (i32)  : i32 {
      %mul3A_31 = arith.constant 128 : i32
      %mul3A_32 = arith.muli %scan3A_29, %mul3A_31 : i32
      %lt3A = arith.cmpi slt, %mul3A_32, %reduce_max3A_16 : i32
      %convert_element_type3A_33 = arith.extui %lt3A : i1 to i32
      %cond3A_34 = arith.constant 0 : i32
      %cond3A_35 = arith.cmpi ne, %convert_element_type3A_33, %cond3A_34 : i32
      scf.if %cond3A_35 {
        %dma_start3A = arith.constant 0 : i32
        %dma_start3A_37 = tpu.memref_slice %arg10[%scan3A_29, %dma_start3A] : memref<26x128xi32, #tpu.memory_space<vmem>> -> memref<1x128xi32, #tpu.memory_space<vmem>>
        %dma_start3A_38 = tpu.memref_squeeze %dma_start3A_37 : memref<1x128xi32, #tpu.memory_space<vmem>> -> memref<128xi32, #tpu.memory_space<vmem>>
        %dma_start3A_39 = arith.constant 0 : i32
        %dma_start3A_40 = arith.constant 0 : i32
        %dma_start3A_41 = tpu.memref_slice %arg3[%dma_start3A_39, %dma_start3A_40] : memref<100000x128xf32, #tpu.memory_space<hbm>> -> memref<100000x128xf32, #tpu.memory_space<hbm>>
        tpu.enqueue_indirect_dma source(%dma_start3A_41 : memref<100000x128xf32, #tpu.memory_space<hbm>>) target(%arg11 : memref<128x128xf32, #tpu.memory_space<vmem>>) offsets(%dma_start3A_38 : memref<128xi32, #tpu.memory_space<vmem>>) semaphore(%arg13 : memref<!tpu.dma_semaphore, #tpu.memory_space<semaphore_mem>>)
        %dma_wait3A = arith.constant 0 : i32
        %dma_wait3A_42 = tpu.memref_slice %arg10[%scan3A_29, %dma_wait3A] : memref<26x128xi32, #tpu.memory_space<vmem>> -> memref<1x128xi32, #tpu.memory_space<vmem>>
        %dma_wait3A_43 = tpu.memref_squeeze %dma_wait3A_42 : memref<1x128xi32, #tpu.memory_space<vmem>> -> memref<128xi32, #tpu.memory_space<vmem>>
        %dma_wait3A_44 = arith.constant 0 : i32
        %dma_wait3A_45 = arith.constant 0 : i32
        %dma_wait3A_46 = tpu.memref_slice %arg3[%dma_wait3A_44, %dma_wait3A_45] : memref<100000x128xf32, #tpu.memory_space<hbm>> -> memref<100000x128xf32, #tpu.memory_space<hbm>>
        tpu.wait_indirect_dma semaphore(%arg13 : memref<!tpu.dma_semaphore, #tpu.memory_space<semaphore_mem>>) src(%dma_wait3A_46 : memref<100000x128xf32, #tpu.memory_space<hbm>>) dst(%arg11 : memref<128x128xf32, #tpu.memory_space<vmem>>)
        %mul3A_47 = arith.constant 128 : i32
        %mul3A_48 = arith.muli %scan3A_29, %mul3A_47 : i32
        %add3A_49 = arith.addi %mul3A_2, %mul3A_48 : i32
        "tpu.region"() ({
          %run_scoped3A = tpu.sem_alloc : memref<!tpu.dma_semaphore, #tpu.memory_space<semaphore_mem>>
          %dma_start3A_50 = arith.constant 0 : i32
          %dma_start3A_51 = tpu.memref_slice %arg7[%add3A_49, %dma_start3A_50] : memref<102400x128xf32, #tpu.memory_space<hbm>> -> memref<128x128xf32, #tpu.memory_space<hbm>>
          %dma_start3A_52 = arith.constant 0 : i32
          %dma_start3A_53 = tpu.memref_slice %arg7[%add3A_49, %dma_start3A_52] : memref<102400x128xf32, #tpu.memory_space<hbm>> -> memref<128x128xf32, #tpu.memory_space<hbm>>
          tpu.enqueue_dma source(%arg11 : memref<128x128xf32, #tpu.memory_space<vmem>>) target(%dma_start3A_53 : memref<128x128xf32, #tpu.memory_space<hbm>>) target_semaphore(%run_scoped3A : memref<!tpu.dma_semaphore, #tpu.memory_space<semaphore_mem>>)
          %dma_wait3A_54 = arith.constant 0 : i32
          %dma_wait3A_55 = tpu.memref_slice %arg7[%add3A_49, %dma_wait3A_54] : memref<102400x128xf32, #tpu.memory_space<hbm>> -> memref<128x128xf32, #tpu.memory_space<hbm>>
          %dma_wait3A_56 = arith.constant 0 : i32
          %dma_wait3A_57 = tpu.memref_slice %arg7[%add3A_49, %dma_wait3A_56] : memref<102400x128xf32, #tpu.memory_space<hbm>> -> memref<128x128xf32, #tpu.memory_space<hbm>>
          tpu.wait_dma2 semaphore(%run_scoped3A : memref<!tpu.dma_semaphore, #tpu.memory_space<semaphore_mem>>) src(%arg11 : memref<128x128xf32, #tpu.memory_space<vmem>>) dst(%dma_wait3A_57 : memref<128x128xf32, #tpu.memory_space<hbm>>)
          tpu.yield
        }) : () -> ()
      } else {
      }
      %scan3A_36 = arith.constant 0 : i32
      scf.yield %scan3A_36 : i32
    }
    %scan3A_28 = arith.constant 25 : i32
    return
  }
}

module attributes {stable_mosaic.version = 14 : i64} {
  func.func @_tc_mm_body(%arg0: i32, %arg1: i32, %arg2: memref<512xi32, #tpu.memory_space<smem>>, %arg3: memref<640x128xf32, #tpu.memory_space<vmem>>, %arg4: memref<128x128xf32, #tpu.memory_space<vmem>>, %arg5: memref<1x128xf32, #tpu.memory_space<vmem>>, %arg6: memref<640x128xf32, #tpu.memory_space<vmem>>) attributes {dimension_semantics = [#tpu.dimension_semantics<arbitrary>, #tpu.dimension_semantics<arbitrary>], iteration_bounds = array<i64: 32, 5>, scalar_prefetch = 1 : i64, scratch_operands = 0 : i64, tpu.core_type = #tpu.core_type<tc>, window_params = [{transform_indices = @transform_0, window_bounds = array<i64: 640, 128>}, {pipeline_mode = #tpu.pipeline_mode<synchronous>, transform_indices = @transform_1, window_bounds = array<i64: 128, 128>}, {pipeline_mode = #tpu.pipeline_mode<synchronous>, transform_indices = @transform_2, window_bounds = array<i64: 1, 128>}, {transform_indices = @transform_3, window_bounds = array<i64: 640, 128>}]} {
    %mul3A = arith.constant 16 : i32
    %mul3A_0 = arith.muli %arg0, %mul3A : i32
    %get3A = arith.index_cast %mul3A_0 : i32 to index
    %get3A_1 = memref.load %arg2[%get3A] : memref<512xi32, #tpu.memory_space<smem>>
    %add3A = arith.constant 640 : i32
    %add3A_2 = arith.addi %get3A_1, %add3A : i32
    %sub3A = arith.constant 1 : i32
    %sub3A_3 = arith.subi %add3A_2, %sub3A : i32
    %jit3A = arith.constant 640 : i32
    %div3A = arith.divsi %sub3A_3, %jit3A : i32
    %sign3A = arith.constant 0 : i32
    %sign3A_4 = arith.cmpi sgt, %sub3A_3, %sign3A : i32
    %sign3A_5 = arith.extui %sign3A_4 : i1 to i32
    %sign3A_6 = arith.constant 0 : i32
    %sign3A_7 = arith.cmpi slt, %sub3A_3, %sign3A_6 : i32
    %sign3A_8 = arith.extui %sign3A_7 : i1 to i32
    %sign3A_9 = arith.subi %sign3A_5, %sign3A_8 : i32
    %sign3A_10 = arith.constant 0 : i32
    %sign3A_11 = arith.cmpi sgt, %jit3A, %sign3A_10 : i32
    %sign3A_12 = arith.extui %sign3A_11 : i1 to i32
    %sign3A_13 = arith.constant 0 : i32
    %sign3A_14 = arith.cmpi slt, %jit3A, %sign3A_13 : i32
    %sign3A_15 = arith.extui %sign3A_14 : i1 to i32
    %sign3A_16 = arith.subi %sign3A_12, %sign3A_15 : i32
    %ne3A = arith.cmpi ne, %sign3A_9, %sign3A_16 : i32
    %rem3A = arith.remsi %sub3A_3, %jit3A : i32
    %ne3A_17 = arith.constant 0 : i32
    %ne3A_18 = arith.cmpi ne, %rem3A, %ne3A_17 : i32
    %and3A = arith.andi %ne3A, %ne3A_18 : i1
    %sub3A_19 = arith.constant 1 : i32
    %sub3A_20 = arith.subi %div3A, %sub3A_19 : i32
    %select_n3A = arith.select %and3A, %sub3A_20, %div3A : i32
    %sub3A_21 = arith.constant 1 : i32
    %sub3A_22 = arith.subi %select_n3A, %sub3A_21 : i32
    %max3A = arith.constant 0 : i32
    %max3A_23 = arith.maxsi %sub3A_22, %max3A : i32
    %le3A = arith.cmpi sle, %arg1, %max3A_23 : i32
    %convert_element_type3A = arith.extui %le3A : i1 to i32
    %cond3A = arith.constant 0 : i32
    %cond3A_24 = arith.cmpi ne, %convert_element_type3A, %cond3A : i32
    scf.if %cond3A_24 {
      %get3A_25 = arith.constant 0 : index
      %get3A_26 = arith.constant 0 : index
      %get3A_27 = vector.load %arg3[%get3A_25, %get3A_26] : memref<640x128xf32, #tpu.memory_space<vmem>>, vector<640x128xf32>
      %get3A_28 = arith.constant 0 : index
      %get3A_29 = arith.constant 0 : index
      %get3A_30 = vector.load %arg4[%get3A_28, %get3A_29] : memref<128x128xf32, #tpu.memory_space<vmem>>, vector<128x128xf32>
      %dot_general3A = arith.constant dense<0.000000e+00> : vector<640x128xf32>
      %dot_general3A_31 = tpu.matmul %get3A_27, %get3A_30, %dot_general3A {dimension_numbers = #tpu.dot_dimension_numbers<[1], [0], [0], [1], [0, 0, 1, 1], [], []>, transpose_lhs_hint = false} : vector<640x128xf32>, vector<128x128xf32>, vector<640x128xf32> -> vector<640x128xf32>
      %get3A_32 = arith.constant 0 : index
      %get3A_33 = arith.constant 0 : index
      %get3A_34 = vector.load %arg5[%get3A_32, %get3A_33] : memref<1x128xf32, #tpu.memory_space<vmem>>, vector<1x128xf32>
      %get3A_35 = vector.shape_cast %get3A_34 : vector<1x128xf32> to vector<128xf32>
      %broadcast_in_dim3A = vector.shape_cast %get3A_35 : vector<128xf32> to vector<1x128xf32>
      %add3A_36 = vector.broadcast %broadcast_in_dim3A : vector<1x128xf32> to vector<640x128xf32>
      %add3A_37 = arith.addf %dot_general3A_31, %add3A_36 : vector<640x128xf32>
      %swap3A = arith.constant 0 : index
      %swap3A_38 = arith.constant 0 : index
      %swap3A_39 = vector.load %arg6[%swap3A, %swap3A_38] : memref<640x128xf32, #tpu.memory_space<vmem>>, vector<640x128xf32>
      tpu.vector_store %arg6[%swap3A, %swap3A_38], %add3A_37 {strides = array<i32>} : memref<640x128xf32, #tpu.memory_space<vmem>>, vector<640x128xf32>,
    } else {
    }
    return
  }
  func.func @transform_0(%arg0: i32, %arg1: i32, %arg2: memref<512xi32, #tpu.memory_space<smem>>) -> (i32, i32) {
    %mul3A = arith.constant 16 : i32
    %mul3A_0 = arith.muli %arg0, %mul3A : i32
    %get3A = arith.index_cast %mul3A_0 : i32 to index
    %get3A_1 = memref.load %arg2[%get3A] : memref<512xi32, #tpu.memory_space<smem>>
    %add3A = arith.constant 640 : i32
    %add3A_2 = arith.addi %get3A_1, %add3A : i32
    %sub3A = arith.constant 1 : i32
    %sub3A_3 = arith.subi %add3A_2, %sub3A : i32
    %jit3A = arith.constant 640 : i32
    %div3A = arith.divsi %sub3A_3, %jit3A : i32
    %sign3A = arith.constant 0 : i32
    %sign3A_4 = arith.cmpi sgt, %sub3A_3, %sign3A : i32
    %sign3A_5 = arith.extui %sign3A_4 : i1 to i32
    %sign3A_6 = arith.constant 0 : i32
    %sign3A_7 = arith.cmpi slt, %sub3A_3, %sign3A_6 : i32
    %sign3A_8 = arith.extui %sign3A_7 : i1 to i32
    %sign3A_9 = arith.subi %sign3A_5, %sign3A_8 : i32
    %sign3A_10 = arith.constant 0 : i32
    %sign3A_11 = arith.cmpi sgt, %jit3A, %sign3A_10 : i32
    %sign3A_12 = arith.extui %sign3A_11 : i1 to i32
    %sign3A_13 = arith.constant 0 : i32
    %sign3A_14 = arith.cmpi slt, %jit3A, %sign3A_13 : i32
    %sign3A_15 = arith.extui %sign3A_14 : i1 to i32
    %sign3A_16 = arith.subi %sign3A_12, %sign3A_15 : i32
    %ne3A = arith.cmpi ne, %sign3A_9, %sign3A_16 : i32
    %rem3A = arith.remsi %sub3A_3, %jit3A : i32
    %ne3A_17 = arith.constant 0 : i32
    %ne3A_18 = arith.cmpi ne, %rem3A, %ne3A_17 : i32
    %and3A = arith.andi %ne3A, %ne3A_18 : i1
    %sub3A_19 = arith.constant 1 : i32
    %sub3A_20 = arith.subi %div3A, %sub3A_19 : i32
    %select_n3A = arith.select %and3A, %sub3A_20, %div3A : i32
    %sub3A_21 = arith.constant 1 : i32
    %sub3A_22 = arith.subi %select_n3A, %sub3A_21 : i32
    %max3A = arith.constant 0 : i32
    %max3A_23 = arith.maxsi %sub3A_22, %max3A : i32
    %mul3A_24 = arith.constant 5 : i32
    %mul3A_25 = arith.muli %arg0, %mul3A_24 : i32
    %min3A = arith.minsi %arg1, %max3A_23 : i32
    %add3A_26 = arith.addi %mul3A_25, %min3A : i32
    %c0_i32 = arith.constant 0 : i32
    %c0_i32_27 = arith.constant 0 : i32
    return %add3A_26, %c0_i32 : i32, i32
  }
  func.func @transform_1(%arg0: i32, %arg1: i32, %arg2: memref<512xi32, #tpu.memory_space<smem>>) -> (i32, i32) {
    %c0_i32 = arith.constant 0 : i32
    %c0_i32_0 = arith.constant 0 : i32
    %c0_i32_1 = arith.constant 0 : i32
    return %c0_i32, %c0_i32_0 : i32, i32
  }
  func.func @transform_2(%arg0: i32, %arg1: i32, %arg2: memref<512xi32, #tpu.memory_space<smem>>) -> (i32, i32) {
    %c0_i32 = arith.constant 0 : i32
    %c0_i32_0 = arith.constant 0 : i32
    %c0_i32_1 = arith.constant 0 : i32
    return %c0_i32, %c0_i32_0 : i32, i32
  }
  func.func @transform_3(%arg0: i32, %arg1: i32, %arg2: memref<512xi32, #tpu.memory_space<smem>>) -> (i32, i32) {
    %mul3A = arith.constant 16 : i32
    %mul3A_0 = arith.muli %arg0, %mul3A : i32
    %get3A = arith.index_cast %mul3A_0 : i32 to index
    %get3A_1 = memref.load %arg2[%get3A] : memref<512xi32, #tpu.memory_space<smem>>
    %add3A = arith.constant 640 : i32
    %add3A_2 = arith.addi %get3A_1, %add3A : i32
    %sub3A = arith.constant 1 : i32
    %sub3A_3 = arith.subi %add3A_2, %sub3A : i32
    %jit3A = arith.constant 640 : i32
    %div3A = arith.divsi %sub3A_3, %jit3A : i32
    %sign3A = arith.constant 0 : i32
    %sign3A_4 = arith.cmpi sgt, %sub3A_3, %sign3A : i32
    %sign3A_5 = arith.extui %sign3A_4 : i1 to i32
    %sign3A_6 = arith.constant 0 : i32
    %sign3A_7 = arith.cmpi slt, %sub3A_3, %sign3A_6 : i32
    %sign3A_8 = arith.extui %sign3A_7 : i1 to i32
    %sign3A_9 = arith.subi %sign3A_5, %sign3A_8 : i32
    %sign3A_10 = arith.constant 0 : i32
    %sign3A_11 = arith.cmpi sgt, %jit3A, %sign3A_10 : i32
    %sign3A_12 = arith.extui %sign3A_11 : i1 to i32
    %sign3A_13 = arith.constant 0 : i32
    %sign3A_14 = arith.cmpi slt, %jit3A, %sign3A_13 : i32
    %sign3A_15 = arith.extui %sign3A_14 : i1 to i32
    %sign3A_16 = arith.subi %sign3A_12, %sign3A_15 : i32
    %ne3A = arith.cmpi ne, %sign3A_9, %sign3A_16 : i32
    %rem3A = arith.remsi %sub3A_3, %jit3A : i32
    %ne3A_17 = arith.constant 0 : i32
    %ne3A_18 = arith.cmpi ne, %rem3A, %ne3A_17 : i32
    %and3A = arith.andi %ne3A, %ne3A_18 : i1
    %sub3A_19 = arith.constant 1 : i32
    %sub3A_20 = arith.subi %div3A, %sub3A_19 : i32
    %select_n3A = arith.select %and3A, %sub3A_20, %div3A : i32
    %sub3A_21 = arith.constant 1 : i32
    %sub3A_22 = arith.subi %select_n3A, %sub3A_21 : i32
    %max3A = arith.constant 0 : i32
    %max3A_23 = arith.maxsi %sub3A_22, %max3A : i32
    %mul3A_24 = arith.constant 5 : i32
    %mul3A_25 = arith.muli %arg0, %mul3A_24 : i32
    %min3A = arith.minsi %arg1, %max3A_23 : i32
    %add3A_26 = arith.addi %mul3A_25, %min3A : i32
    %c0_i32 = arith.constant 0 : i32
    %c0_i32_27 = arith.constant 0 : i32
    return %add3A_26, %c0_i32 : i32, i32
  }
}

module attributes {stable_mosaic.version = 14 : i64} {
  func.func @_tc_emb_body(%arg0: i32, %arg1: memref<1x1x20000xi32, #tpu.memory_space<vmem>>, %arg2: memref<16x128xf32, #tpu.memory_space<vmem>>, %arg3: memref<20000x128xf32, #tpu.memory_space<vmem>>) attributes {dimension_semantics = [#tpu.dimension_semantics<arbitrary>], iteration_bounds = array<i64: 5>, scalar_prefetch = 0 : i64, scratch_operands = 0 : i64, tpu.core_type = #tpu.core_type<tc>, window_params = [{transform_indices = @transform_0, window_bounds = array<i64: 1, 1, 20000>}, {pipeline_mode = #tpu.pipeline_mode<synchronous>, transform_indices = @transform_1, window_bounds = array<i64: 16, 128>}, {transform_indices = @transform_2, window_bounds = array<i64: 20000, 128>}]} {
    %get3A = arith.constant 0 : index
    %get3A_0 = arith.constant 0 : index
    %get3A_1 = arith.constant 0 : index
    %get3A_2 = vector.load %arg1[%get3A, %get3A_0, %get3A_1] : memref<1x1x20000xi32, #tpu.memory_space<vmem>>, vector<1x1x20000xi32>
    %get3A_3 = vector.shape_cast %get3A_2 : vector<1x1x20000xi32> to vector<1x20000xi32>
    %iota3A = tpu.iota {dimensions = array<i32: 0>} : vector<16x20000xi32>
    %eq3A = vector.broadcast %get3A_3 : vector<1x20000xi32> to vector<16x20000xi32>
    %eq3A_4 = arith.cmpi eq, %eq3A, %iota3A : vector<16x20000xi32>
    %convert_element_type3A = arith.extui %eq3A_4 : vector<16x20000xi1> to vector<16x20000xi32>
    %convert_element_type3A_5 = arith.sitofp %convert_element_type3A : vector<16x20000xi32> to vector<16x20000xf32>
    %get3A_6 = arith.constant 0 : index
    %get3A_7 = arith.constant 0 : index
    %get3A_8 = vector.load %arg2[%get3A_6, %get3A_7] : memref<16x128xf32, #tpu.memory_space<vmem>>, vector<16x128xf32>
    %dot_general3A = arith.constant dense<0.000000e+00> : vector<20000x128xf32>
    %dot_general3A_9 = tpu.matmul %convert_element_type3A_5, %get3A_8, %dot_general3A {dimension_numbers = #tpu.dot_dimension_numbers<[0], [0], [1], [1], [0, 1, 1, 1], [], []>, transpose_lhs_hint = false} : vector<16x20000xf32>, vector<16x128xf32>, vector<20000x128xf32> -> vector<20000x128xf32>
    %swap3A = arith.constant 0 : index
    %swap3A_10 = arith.constant 0 : index
    %swap3A_11 = vector.load %arg3[%swap3A, %swap3A_10] : memref<20000x128xf32, #tpu.memory_space<vmem>>, vector<20000x128xf32>
    tpu.vector_store %arg3[%swap3A, %swap3A_10], %dot_general3A_9 {strides = array<i32>} : memref<20000x128xf32, #tpu.memory_space<vmem>>, vector<20000x128xf32>,
    return
  }
  func.func @transform_0(%arg0: i32) -> (i32, i32, i32) {
    %c0_i32 = arith.constant 0 : i32
    %c0_i32_0 = arith.constant 0 : i32
    %c0_i32_1 = arith.constant 0 : i32
    return %arg0, %c0_i32, %c0_i32_0 : i32, i32, i32
  }
  func.func @transform_1(%arg0: i32) -> (i32, i32) {
    %c0_i32 = arith.constant 0 : i32
    %c0_i32_0 = arith.constant 0 : i32
    %c0_i32_1 = arith.constant 0 : i32
    return %c0_i32, %c0_i32_0 : i32, i32
  }
  func.func @transform_2(%arg0: i32) -> (i32, i32) {
    %c0_i32 = arith.constant 0 : i32
    %c0_i32_0 = arith.constant 0 : i32
    return %arg0, %c0_i32 : i32, i32
  }
}

</mosaic_0001>

<sc_bundles>
// kernel: kernel.6.cloned.1.call-start
scs
__scs_entry_jumppad:
0x0: {  	(pc) =	sbr.rel $0x88, $3  }
0x1: {  	(tag) =	ssettag $0x0;
	lr =	simm.s32 $0x1  }
0x2: {  	[smem:$0x3F9B] =	sst lr;
	_ =	strace $0xD0000000  }
0x3: {  	_ = 	snop  }
0x4: {  	_ = 	snop  }
0x5: {  	_ = 	snop  }
0x6: {  	_ = 	snop  }
0x7: {  	_ = 	snop  }
__scs_overlays_trampoline_lowered:
0x8: {  	[smem:$0x3FAA] =	sst s0  }
0x9: {  	[smem:$0x3FAB] =	sst s1  }
0xa: {  	[smem:$0x3FAC] =	sst s2  }
0xb: {  	[smem:$0x3FAD] =	sst s3  }
0xc: {  	[smem:$0x3FAE] =	sst s4  }
0xd: {  	[smem:$0x3FAF] =	sst s5  }
0xe: {  	[smem:$0x3FB0] =	sst s6  }
0xf: {  	[smem:$0x3FB1] =	sst s7  }
0x10: {  	[smem:$0x3FB2] =	sst s8  }
0x11: {  	[smem:$0x3FB3] =	sst s9;
	s0 =	simm.s32 @!p0 $0x0  }
0x12: {  	s1 =	sld [smem:$0x3F99];
	s0 =	simm.s32 @p0 $0x1  }
0x13: {  	[smem:$0x3FB4] =	sst s0;
	s0 =	simm.s32 @!p1 $0x0  }
0x14: {  	s2 =	sld [smem:$0x3F98];
	s0 =	simm.s32 @p1 $0x1  }
0x15: {  	[smem:$0x3FB5] =	sst s0;
	s0 =	simm.s32 @!p2 $0x0  }
0x16: {  	s3 =	sld [smem:$0x3FDB];
	s0 =	simm.s32 @p2 $0x1  }
0x17: {  	s4 =	simm.s32 $0x1BF5;
	[smem:$0x3FB7] =	sst s0  }
0x18: {  	s0 =	sld [smem:$0x3F9A];
	_ =	swait.ge [sflag:s4], $0x0  }
0x19: {  	s7 =	sld [smem:$0x3F9B]  }
0x1a: {  	s8 =	sadd.s32 $0xFFFFE003, lr  }
0x1b: {  	s9 =	sadd.s32 $0xFFFFFEF7, lr;
	s5 =	simm.s32 $0xFFFFFFFF;
	p2 =	slt.u32 s8, $0xFFFFF086  }
0x1c: {  	p1 =	slt.u32 s9, $0xF7A;
	s5 =	simm.s32 @!p2 $0x0  }
0x1d: {  	s5 =	simm.s32 @p1 $0x1;
	p0 =	seq.s32 s7, s2  }
0x1e: {  	s7 =	smul.u32 @!p0 $0xF7A, s2;
	p2 =	seq.s32 @!p0 s5, $0x0  }
0x1f: {  	s9 =	smul.u32 $0xF7A, s1;
	s8 =	simm.s32 @!p0 $0x1BF5;
	p2 =	por !p2, p0  }
0x20: {  	[sflag:s8] =	ssyncset.s32 @!p0 $0xFFFFF086;
	s6 =	sadd.s32 @!p0 s3, s7;
	s7 =	simm.s32 @!p0 $0x108  }
0x21: {  	s3 =	sadd.s32 s3, s9;
	s6 =	sadd.s32 @!p0 $0x88, s6;
	s7 =	simm.s32 @p2 $0x1082  }
0x22: {  	[simem:s7], [sflag:s8] =	dma.local @!p0 [hbm:s6], $0xF7A  }
0x23: {  	s9 =	sor.u32 $0xD0000000, s2;
	s6 =	simm.s32 $0x108;
	_ =	swait.ge @!p0 [sflag:s8], $0x0  }
0x24: {  	s3 =	sadd.s32 $0x88, s3;
	s6 =	simm.s32 @!p1 $0x1082;
	[sflag:s4] =	ssyncset.s32 $0xFFFFF086  }
0x25: {  	[simem:s6], [sflag:s4] =	dma.local [hbm:s3], $0xF7A  }
0x26: {  	[smem:$0x3F9B] =	sst s1;
	(tag) =	ssettag s2;
	_ =	strace s9  }
0x27: {  	s1 =	sld [smem:$0x3FAB]  }
0x28: {  	s2 =	sld [smem:$0x3FAC]  }
0x29: {  	s4 =	sld [smem:$0x3FAE]  }
0x2a: {  	p0 =	seq.s32 s5, $0x0;
	s5 =	sld [smem:$0x3FAF]  }
0x2b: {  	s6 =	sld [smem:$0x3FB0]  }
0x2c: {  	s7 =	sld [smem:$0x3FB1]  }
0x2d: {  	s3 =	simm.s32 $0x108;
	s8 =	sld [smem:$0x3FB2]  }
0x2e: {  	s3 =	simm.s32 @!p0 $0x1082;
	s9 =	sld [smem:$0x3FB3]  }
0x2f: {  	lr =	sadd.s32 s0, s3;
	s0 =	sld [smem:$0x3FAA]  }
0x30: {  	s3 =	sld [smem:$0x3FAD]  }
0x31: {  	[smem:$0x3FB6] =	sst s10  }
0x32: {  	s10 =	sld [smem:$0x3FB4];
	_ =	sdelay $0x3  }
0x33: {  	p0 =	seq.s32 s10, $0x1;
	s10 =	sld [smem:$0x3FB6];
	_ =	sdelay $0x3  }
0x34: {  	[smem:$0x3FB6] =	sst s10  }
0x35: {  	s10 =	sld [smem:$0x3FB5];
	_ =	sdelay $0x3  }
0x36: {  	p1 =	seq.s32 s10, $0x1;
	s10 =	sld [smem:$0x3FB6];
	_ =	sdelay $0x3  }
0x37: {  	[smem:$0x3FB6] =	sst s10  }
0x38: {  	s10 =	sld [smem:$0x3FB7]  }
0x39: {  	_ = 	snop;
	(pc) =	sbr.ind lr, $3  }
0x3a: {  	_ = 	snop  }
0x3b: {  	_ = 	snop  }
0x3c: {  	p2 =	seq.s32 s10, $0x1;
	s10 =	sld [smem:$0x3FB6]  }
0x3d: {  	_ =	shalt  }
0x3e: {  	_ =	shalt  }
0x3f: {  	_ =	shalt  }
0x40: {  	_ =	shalt  }
0x41: {  	_ =	shalt  }
0x42: {  	_ =	shalt  }
0x43: {  	_ =	shalt  }
0x44: {  	_ =	shalt  }
0x45: {  	_ =	shalt  }
0x46: {  	_ =	shalt  }
0x47: {  	_ =	shalt  }
0x48: {  	_ =	shalt  }
0x49: {  	_ =	shalt  }
0x4a: {  	_ =	shalt  }
0x4b: {  	_ =	shalt  }
0x4c: {  	_ =	shalt  }
0x4d: {  	_ =	shalt  }
0x4e: {  	_ =	shalt  }
0x4f: {  	_ =	shalt  }
0x50: {  	_ =	shalt  }
0x51: {  	_ =	shalt  }
0x52: {  	_ =	shalt  }
0x53: {  	_ =	shalt  }
0x54: {  	_ =	shalt  }
0x55: {  	_ =	shalt  }
0x56: {  	_ =	shalt  }
0x57: {  	_ =	shalt  }
0x58: {  	_ =	shalt  }
0x59: {  	_ =	shalt  }
0x5a: {  	_ =	shalt  }
0x5b: {  	_ =	shalt  }
0x5c: {  	_ =	shalt  }
0x5d: {  	_ =	shalt  }
0x5e: {  	_ =	shalt  }
0x5f: {  	_ =	shalt  }
0x60: {  	_ =	shalt  }
0x61: {  	_ =	shalt  }
0x62: {  	_ =	shalt  }
0x63: {  	_ =	shalt  }
0x64: {  	_ =	shalt  }
0x65: {  	_ =	shalt  }
0x66: {  	_ =	shalt  }
0x67: {  	_ =	shalt  }
0x68: {  	_ =	shalt  }
0x69: {  	_ =	shalt  }
0x6a: {  	_ =	shalt  }
0x6b: {  	_ =	shalt  }
0x6c: {  	_ =	shalt  }
0x6d: {  	_ =	shalt  }
0x6e: {  	_ =	shalt  }
0x6f: {  	_ =	shalt  }
0x70: {  	_ =	shalt  }
0x71: {  	_ =	shalt  }
0x72: {  	_ =	shalt  }
0x73: {  	_ =	shalt  }
0x74: {  	_ =	shalt  }
0x75: {  	_ =	shalt  }
0x76: {  	_ =	shalt  }
0x77: {  	_ =	shalt  }
0x78: {  	_ =	shalt  }
0x79: {  	_ =	shalt  }
0x7a: {  	_ =	shalt  }
0x7b: {  	_ =	shalt  }
0x7c: {  	_ =	shalt  }
0x7d: {  	_ =	shalt  }
0x7e: {  	_ =	shalt  }
0x7f: {  	_ =	shalt  }
0x80: {  	_ =	shalt  }
0x81: {  	_ =	shalt  }
0x82: {  	_ =	shalt  }
0x83: {  	_ =	shalt  }
0x84: {  	_ =	shalt  }
0x85: {  	_ =	shalt  }
0x86: {  	_ =	shalt  }
0x87: {  	_ =	shalt  }
.Lfunc_end0:
.L_simem_size_0:
called_computation_lowered:
.L_overlay_start_0:
0x88: {  	s2 =	sld [smem:$0x3FD9]  }
0x89: {  	s3 =	sld [smem:$0x3FFE];
	_ =	sdelay $0x1  }
0x8a: {  	s1 =	srdreg.scid  }
0x8b: {  	s0 =	sand.u32 $0x1, s1  }
0x8c: {  	s17 =	sshll.u32 s0, $0xA;
	s2 =	sadd.s32 s3, s2  }
0x8d: {  	s2 =	sadd.s32 s2, s17  }
0x8e: {  	[smem:$0x3FC2] =	sst s2  }
0x8f: {  	_ = 	snop  }
0x90: {  	s2 =	sld [smem:$0x3FC9];
	(tm) =	ssettm $0x1  }
0x91: {  	s18 =	sld [smem:$0x3FFB];
	_ =	sdelay $0x3  }
0x92: {  	_ =	strace s18  }
0x93: {  	s3 =	sld [smem:$0x3FFC];
	_ =	sdelay $0x3  }
0x94: {  	_ =	strace s3  }
0x95: {  	s3 =	sld [smem:$0x3FFD];
	_ =	sdelay $0x3  }
0x96: {  	_ =	strace s3  }
0x97: {  	_ =	strace $0x8FFFFFFF  }
0x98: {  	s19 =	sld [smem:$0x3FDB];
	_ =	sdelay $0x1  }
0x99: {  	s4 =	simm.s32 $_scs_section_size  }
0x9a: {  	s5 =	simm.s32 $_size__tile_overlayer_lowered;
	s6 =	simm.s32 $_tile_overlayer_lowered  }
0x9b: {  	s22 =	simm.s32 $0x1BFF;
	s21 =	sshll.u32 s6, $0x1;
	s3 =	sadd.s32 s4, s19  }
0x9c: {  	s7 =	simm.s32 $0x0;
	s20 =	sshll.u32 s5, $0x1;
	s5 =	sadd.s32 s21, s3  }
0x9d: {  	[timem:s7], [sflag:s22] =	dma.local [hbm:s5], s20  }
0x9e: {  	_ =	swait.ge [sflag:s22], s20  }
0x9f: {  	s4 =	ssub.s32 $0x0, s20;
	[sflag:s22] =	ssyncset.done $0x0  }
0xa0: {  	[sflag:s22] =	ssyncadd.s32 s4;
	_ =	sdelay $0x1  }
0xa1: {  	s23 =	simm.s32 $0x1B8B  }
0xa2: {  	_ =	swait.ge [sflag:s23], $0x1  }
0xa3: {  	[sflag:s23] =	ssyncset.done $0x0  }
0xa4: {  	s25 =	simm.s32 $0x1B8E;
	s24 =	sld [smem:$0x3FFE];
	[sflag:s23] =	ssyncadd.s32 $0xFFFFFFFF  }
0xa5: {  	s26 =	simm.s32 $execute0_lowered;
	[smem:$0x3FD2] =	sst s25  }
0xa6: {  	s5 =	sshll.u32 s26, $0x1;
	_ =	strace $0x80000046;
	[dreg:$0x1] =	wrdreg $0xFFFFFFFF  }
0xa7: {  	s28 =	simm.s32 $_size_execute0_lowered;
	s3 =	sadd.s32 s3, s5;
	[dreg:$0x0] =	wrdreg $0x0  }
0xa8: {  	s5 =	sshll.u32 s28, $0x1;
	[dreg:$0x2] =	wrdreg s3  }
0xa9: {  	[dreg:$0x3] =	wrdreg s5  }
0xaa: {  	[dreg:$0x4] =	wrdreg $0xC0  }
0xab: {  	_ =	task [dreg:s7], $0x5FFFF  }
0xac: {  	[dreg:$0x1] =	wrdreg $0xFFFFFFFF  }
0xad: {  	[dreg:$0x0] =	wrdreg $0x60  }
0xae: {  	[dreg:$0x2] =	wrdreg s24  }
0xaf: {  	[dreg:$0x3] =	wrdreg s2  }
0xb0: {  	[dreg:$0x4] =	wrdreg $0x9  }
0xb1: {  	_ =	task.clear_ibuf [dreg:s7], $0x5FFFF;
	_ =	strace $0x90000046  }
0xb2: {  	s29 =	simm.s32 $0x9;
	_ =	strace $0x80000048  }
0xb3: {  	_ =	swait.ge [sflag:s29], $0x1  }
0xb4: {  	[sflag:s29] =	ssyncadd.s32 $0xFFFFFFFF  }
0xb5: {  	_ =	strace $0x90000048  }
0xb6: {  	_ =	sfence  }
0xb7: {  	s30 =	sld [smem:$0x0];
	_ =	sdelay $0x2  }
0xb8: {  	s31 =	sshll.u32 s1, $0xD;
	s1 =	sshrl.u32 s1, $0x2  }
0xb9: {  	s3 =	sand.u32 $0x4000, s31;
	s1 =	sadd.s32 s1, s30  }
0xba: {  	s0 =	sor.u32 s3, s0;
	s1 =	sshll.u32 s1, $0x11  }
0xbb: {  	s0 =	sor.u32 s1, s0  }
0xbc: {  	s0 =	sadd.s32 $0x8F2B, s0  }
0xbd: {  	[sflag:s0] =	ssyncadd.remote.s32 $0x1  }
0xbe: {  	_ =	sfence.sel $0xFFFF  }
0xbf: {  	[dreg:$0x0] =	wrdreg $0xFFFFFFFF;
	(pc) =	sbr.abs _section_cstart, $3  }
0xc0: {  	[dreg:$0x1] =	wrdreg $0xFFFFFFFF  }
0xc1: {  	_ =	task.clear_ibuf [dreg:s7], $0x2FFFF;
	_ =	strace $0x9FFFFFFF  }
0xc2: {  	(tm) =	ssettm $0x7FFFFFFF  }
0xc3: {  	_ =	shalt  }
tec
execute0_lowered:
.L_overlay_start_1:
0x0: {  	(tag) =	ssettag $0x1  }
0x1: {  	s1 =	srdreg.scid  }
0x2: {  	s0 =	stileid.u32;
	s5 =	rddreg [dreg:$0x0]  }
0x3: {  	s2 =	rddreg [dreg:$0x1];
	s3 =	simm.s32 $0x0;
	s10 =	smul.u32 $0x19000, s0  }
0x4: {  	s6 =	sand.u32 $0x1, s1;
	s1 =	rddreg [dreg:$0x2];
	s11 =	smul.u32 $0x1900, s0  }
0x5: {  	s30 =	sshll.u32 s0, $0x1;
	[smem:$0x7FF] =	sst s3;
	s13 =	smul.u32 $0xC80, s6  }
0x6: {  	s7 =	sor.u32 s6, s30;
	_ =	strace $0x80000047;
	s15 =	smul.u32 $0xC800, s6  }
0x7: {  	s12 =	ssub.s32 $0x2, s6;
	s4 =	smul.u32 $0xC80, s7;
	s9 =	sshll.u32 s7, $0x9  }
0x8: {  	s7 =	sshll.u32 s7, $0x1;
	s10 =	sadd.s32 s10, s5;
	s14 =	sshrl.u32 s12, $0x1  }
0x9: {  	s9 =	sadd.s32 s9, s5;
	s7 =	sadd.s32 s7, s5;
	s31 =	ssub.s32 s12, s14  }
0xa: {  	s10 =	sadd.s32 s15, s10;
	s12 =	simm.s32 $0x2;
	s14 =	simm.s32 $0x5D00  }
0xb: {  	s15 =	simm.s32 $0x0;
	s4 =	sshrl.u32 s4, $0x3;
	s6 =	sadd.s32 $0x198A00, s7  }
0xc: {  	s7 =	sadd.s32 $0x194A00, s9;
	s9 =	sadd.s32 s13, s11;
	s10 =	sadd.s32 $0x4A00, s10  }
0xd: {  	s11 =	simm.s32 $0xC80;
	s13 =	simm.s32 $0xD00;
	s8 =	sadd.s32 s4, s5  }
0xe: {  	v0 =	vimm.s32 $0x0;
	v1 =	vlaneseq.u32;
	s4 =	sadd.s32 $0x4800, s5;
	s5 =	sadd.s32 $0x1600, s8;
	s8 =	smax.u32 s31, $0x1  }
.LBB2_1:
0xf: {  	[tilespmem:s11], [sflag:$0x2] =	stream.linear.gather [hbm4b:s4+s3], $0x80, $0x38;
	[tilespmem:$0x5D80] =	vst v63  }
0x10: {  	_ =	swait.ge [sflag:s12], $0x80  }
0x11: {  	[sflag:s12] =	ssyncset.done $0x0  }
0x12: {  	[sflag:s12] =	ssyncadd.s32 $0xFFFFFF80  }
0x13: {  	v2 =	vld [tilespmem:$0xC80];
	[tilespmem:s3], [sflag:$0x2] =	stream.linear.gather [hbm4b:s5+s3], $0xC80, $0x38  }
0x14: {  	_ =	swait.ge [sflag:s12], $0xC80  }
0x15: {  	[sflag:s12] =	ssyncset.done $0x0  }
0x16: {  	s16 =	simm.s32 $0x40;
	s17 =	simm.s32 $0x0;
	v3 =	vimm.s32 $0x0;
	[sflag:s12] =	ssyncadd.s32 $0xFFFFF380  }
.LBB2_2:
0x17: {  	v4 =	vld [tilespmem:s16+$0xFFFFFFC0];
	_ =	sdelay $0x4  }
0x18: {  	vm0 =	veq.s32 v4, v2  }
0x19: {  	v4 =	vsel vm0, $0x1, v0  }
0x1a: {  	(xrf0) =	vadd.scan.msk.s32 $0xffff, v4;
	_ =	sdelay $0x5  }
0x1b: {  	v4, _, _ =	vpop (xrf0)  }
0x1c: {  	v4 =	vadd.s32 v4, v3  }
0x1d: {  	v4 =	vadd.s32 $0xFFFFFFFF, v4;
	_ =	sdelay $0x2  }
0x1e: {  	s18 =	sadd.s32 s17, s9  }
0x1f: {  	v5 =	vor.u32 s18, v1  }
0x20: {  	[tilespmem:v4+s13+$0x0] =	vst.idx.msk vm0, v5  }
0x21: {  	v4 =	vld [tilespmem:s16+$0xFFFFFFD0];
	_ =	sdelay $0x4  }
0x22: {  	vm1 =	veq.s32 v4, v2  }
0x23: {  	v4 =	vsel vm1, $0x1, v0  }
0x24: {  	(xrf0) =	vadd.scan.msk.s32 $0xffff, v4;
	_ =	sdelay $0x1  }
0x25: {  	v4 =	vmpcnt.ones.xlane vm0;
	_ =	sdelay $0x3  }
0x26: {  	v3 =	vadd.s32 v3, v4;
	v4, _, _ =	vpop (xrf0)  }
0x27: {  	v4 =	vadd.s32 v4, v3  }
0x28: {  	v4 =	vadd.s32 $0xFFFFFFFF, v4;
	_ =	sdelay $0x2  }
0x29: {  	s19 =	sadd.s32 $0x10, s18  }
0x2a: {  	v5 =	vor.u32 s19, v1  }
0x2b: {  	[tilespmem:v4+s13+$0x0] =	vst.idx.msk vm1, v5  }
0x2c: {  	v4 =	vld [tilespmem:s16+$0xFFFFFFE0];
	_ =	sdelay $0x4  }
0x2d: {  	vm10 =	veq.s32 v4, v2  }
0x2e: {  	v4 =	vsel vm10, $0x1, v0  }
0x2f: {  	(xrf0) =	vadd.scan.msk.s32 $0xffff, v4;
	_ =	sdelay $0x1  }
0x30: {  	v4 =	vmpcnt.ones.xlane vm1;
	_ =	sdelay $0x3  }
0x31: {  	v3 =	vadd.s32 v3, v4;
	v4, _, _ =	vpop (xrf0)  }
0x32: {  	v4 =	vadd.s32 v4, v3  }
0x33: {  	v4 =	vadd.s32 $0xFFFFFFFF, v4;
	_ =	sdelay $0x2  }
0x34: {  	s26 =	sadd.s32 $0x20, s18  }
0x35: {  	v5 =	vor.u32 s26, v1  }
0x36: {  	[tilespmem:v4+s13+$0x0] =	vst.idx.msk vm10, v5  }
0x37: {  	v4 =	vld [tilespmem:s16+$0xFFFFFFF0];
	_ =	sdelay $0x4  }
0x38: {  	vm11 =	veq.s32 v4, v2  }
0x39: {  	v4 =	vsel vm11, $0x1, v0  }
0x3a: {  	(xrf0) =	vadd.scan.msk.s32 $0xffff, v4;
	_ =	sdelay $0x1  }
0x3b: {  	v4 =	vmpcnt.ones.xlane vm10;
	_ =	sdelay $0x3  }
0x3c: {  	v3 =	vadd.s32 v3, v4;
	v4, _, _ =	vpop (xrf0)  }
0x3d: {  	v4 =	vadd.s32 v4, v3  }
0x3e: {  	v4 =	vadd.s32 $0xFFFFFFFF, v4;
	_ =	sdelay $0x2  }
0x3f: {  	s28 =	sadd.s32 $0x30, s18  }
0x40: {  	v5 =	vor.u32 s28, v1  }
0x41: {  	[tilespmem:v4+s13+$0x0] =	vst.idx.msk vm11, v5  }
0x42: {  	v4 =	vld [tilespmem:s16+$0x0];
	_ =	sdelay $0x4  }
0x43: {  	vm12 =	veq.s32 v4, v2  }
0x44: {  	v4 =	vsel vm12, $0x1, v0  }
0x45: {  	(xrf0) =	vadd.scan.msk.s32 $0xffff, v4;
	_ =	sdelay $0x1  }
0x46: {  	v4 =	vmpcnt.ones.xlane vm11;
	_ =	sdelay $0x3  }
0x47: {  	v3 =	vadd.s32 v3, v4;
	v4, _, _ =	vpop (xrf0)  }
0x48: {  	v4 =	vadd.s32 v4, v3  }
0x49: {  	v4 =	vadd.s32 $0xFFFFFFFF, v4;
	_ =	sdelay $0x2  }
0x4a: {  	s29 =	sadd.s32 $0x40, s18  }
0x4b: {  	v5 =	vor.u32 s29, v1  }
0x4c: {  	[tilespmem:v4+s13+$0x0] =	vst.idx.msk vm12, v5  }
0x4d: {  	v4 =	vld [tilespmem:s16+$0x10];
	_ =	sdelay $0x4  }
0x4e: {  	vm13 =	veq.s32 v4, v2  }
0x4f: {  	v4 =	vsel vm13, $0x1, v0  }
0x50: {  	(xrf0) =	vadd.scan.msk.s32 $0xffff, v4;
	_ =	sdelay $0x1  }
0x51: {  	v4 =	vmpcnt.ones.xlane vm12;
	_ =	sdelay $0x3  }
0x52: {  	v3 =	vadd.s32 v3, v4;
	v4, _, _ =	vpop (xrf0)  }
0x53: {  	v4 =	vadd.s32 v4, v3  }
0x54: {  	v4 =	vadd.s32 $0xFFFFFFFF, v4;
	_ =	sdelay $0x2  }
0x55: {  	s30 =	sadd.s32 $0x50, s18  }
0x56: {  	v5 =	vor.u32 s30, v1  }
0x57: {  	[tilespmem:v4+s13+$0x0] =	vst.idx.msk vm13, v5  }
0x58: {  	v4 =	vld [tilespmem:s16+$0x20];
	_ =	sdelay $0x4  }
0x59: {  	vm14 =	veq.s32 v4, v2  }
0x5a: {  	v4 =	vsel vm14, $0x1, v0  }
0x5b: {  	(xrf0) =	vadd.scan.msk.s32 $0xffff, v4;
	_ =	sdelay $0x1  }
0x5c: {  	v4 =	vmpcnt.ones.xlane vm13;
	_ =	sdelay $0x3  }
0x5d: {  	v3 =	vadd.s32 v3, v4;
	v4, _, _ =	vpop (xrf0)  }
0x5e: {  	v4 =	vadd.s32 v4, v3  }
0x5f: {  	v4 =	vadd.s32 $0xFFFFFFFF, v4;
	_ =	sdelay $0x2  }
0x60: {  	s31 =	sadd.s32 $0x60, s18  }
0x61: {  	v5 =	vor.u32 s31, v1  }
0x62: {  	[tilespmem:v4+s13+$0x0] =	vst.idx.msk vm14, v5  }
0x63: {  	v4 =	vld [tilespmem:s16+$0x30];
	_ =	sdelay $0x4  }
0x64: {  	vm15 =	veq.s32 v4, v2  }
0x65: {  	v4 =	vsel vm15, $0x1, v0  }
0x66: {  	(xrf0) =	vadd.scan.msk.s32 $0xffff, v4;
	_ =	sdelay $0x1  }
0x67: {  	v4 =	vmpcnt.ones.xlane vm14;
	_ =	sdelay $0x3  }
0x68: {  	v3 =	vadd.s32 v3, v4;
	v4, _, _ =	vpop (xrf0)  }
0x69: {  	v4 =	vadd.s32 v4, v3  }
0x6a: {  	p0 =	sne.s32 s17, $0xC00;
	v4 =	vadd.s32 $0xFFFFFFFF, v4  }
.Ltmp0:
0x6b: {  	_ = 	snop;
	(pc) =	sbr.rel @p0 .LBB2_2-.Ltmp0, $4  }
0x6c: {  	_ = 	snop  }
0x6d: {  	s18 =	sadd.s32 $0x70, s18;
	v5 =	vmpcnt.ones.xlane vm15  }
0x6e: {  	v6 =	vor.u32 s18, v1  }
0x6f: {  	s17 =	sadd.s32 $0x80, s17;
	s16 =	sadd.s32 $0x80, s16;
	v3 =	vadd.s32 v3, v5;
	[tilespmem:v4+s13+$0x0] =	vst.idx.msk vm15, v6  }
0x70: {  	v2 =	vxor.u32 $0x80000000, v3  }
0x71: {  	(xrf0) =	vmax.scan.msk.u32 $0xffff, v2;
	_ =	sdelay $0x5  }
0x72: {  	v2, _, _ =	vpop (xrf0)  }
0x73: {  	(v2sf) =	vpush v2, $0xF;
	_ =	sdelay $0xe  }
0x74: {  	s17 =	spop (v2sf)  }
0x75: {  	s16 =	sxor.u32 $0x80000000, s17  }
0x76: {  	p0 =	slt.s32 s16, $0x1  }
.Ltmp1:
0x77: {  	_ = 	snop;
	(pc) =	sbr.rel @p0 .LBB2_5-.Ltmp1, $1  }
0x78: {  	_ =	sdelay $0x3  }
0x79: {  	s18 =	sadd.s32 $0x8000007F, s17  }
0x7a: {  	s21 =	sand.u32 $0x7FFFFFF0, s17;
	s22 =	sadd.s32 $0x7FFFFFFF, s17  }
0x7b: {  	s19 =	sand.u32 $0x7F, s18;
	s20 =	sshra.s32 s18, $0x1F;
	p1 =	slt.s32 s18, $0x1  }
0x7c: {  	s23 =	sadd.s32 $0x10, s21;
	s24 =	sadd.s32 $0x20, s21;
	p0 =	sne.s32 s19, $0x0  }
0x7d: {  	s25 =	sadd.s32 $0x30, s21;
	s19 =	sshrl.u32 s20, $0x19;
	p0 =	por !p1, !p0  }
0x7e: {  	v2 =	vor.u32 s21, v1;
	s18 =	sadd.s32 s19, s18;
	s19 =	simm.s32 $0x1;
	p0 =	por !p0, !p0  }
0x7f: {  	v4 =	vmov s22;
	s26 =	sadd.s32 $0x40, s21;
	vm0 =	vge.s32 v2, s16;
	s18 =	sshrl.u32 s18, $0x7;
	s19 =	simm.s32 @!p0 $0x0  }
0x80: {  	s28 =	sadd.s32 $0x50, s21;
	s29 =	sadd.s32 $0x60, s21;
	v5 =	vor.u32 s23, v1;
	v6 =	vor.u32 s24, v1;
	v7 =	vor.u32 s25, v1;
	s18 =	ssub.s32 s18, s19  }
0x81: {  	v8 =	vor.u32 s26, v1;
	v9 =	vor.u32 s28, v1;
	v10 =	vor.u32 s29, v1;
	s18 =	sshll.u32 s18, $0x7  }
0x82: {  	vm11 =	vge.s32 v5, s16;
	vm12 =	vge.s32 v6, s16;
	vm1 =	vlt.s32 v2, s18  }
0x83: {  	vm4 =	vge.s32 v7, s16;
	vm2 =	vlt.s32 v5, s18;
	vm0 =	vmand vm0, vm1  }
0x84: {  	vm13 =	vge.s32 v8, s16;
	v4 =	vld.idx.msk [tilespmem:v4+s13+$0x0], $0xffff;
	vm3 =	vlt.s32 v6, s18;
	vm1 =	vmand vm11, vm2  }
0x85: {  	vm15 =	vge.s32 v9, s16;
	vm5 =	vlt.s32 v7, s18;
	vm2 =	vmand vm12, vm3  }
0x86: {  	vm7 =	vge.s32 v10, s16;
	vm14 =	vlt.s32 v8, s18;
	vm3 =	vmand vm4, vm5  }
0x87: {  	s30 =	sadd.s32 $0x70, s21;
	vm6 =	vlt.s32 v9, s18;
	vm8 =	vlt.s32 v10, s18;
	vm4 =	vmand vm13, vm14  }
0x88: {  	s31 =	sadd.s32 $0x80, s21;
	v11 =	vor.u32 s30, v1;
	vm5 =	vmand vm15, vm6;
	vm11 =	vmand vm7, vm8  }
0x89: {  	vm12 =	vge.s32 v11, s16;
	vm13 =	vlt.s32 v11, s18;
	[tilespmem:v2+s13+$0x0] =	vst.idx.msk vm0, v4;
	v2 =	vor.u32 s31, v1  }
0x8a: {  	vm0 =	vmand vm12, vm13;
	[tilespmem:v5+s13+$0x0] =	vst.idx.msk vm1, v4;
	vm14 =	vge.s32 v2, s16;
	vm15 =	vlt.s32 v2, s18  }
0x8b: {  	[tilespmem:v6+s13+$0x0] =	vst.idx.msk vm2, v4;
	vm1 =	vmand vm14, vm15  }
0x8c: {  	[tilespmem:v7+s13+$0x0] =	vst.idx.msk vm3, v4  }
0x8d: {  	[tilespmem:v8+s13+$0x0] =	vst.idx.msk vm4, v4  }
0x8e: {  	[tilespmem:v9+s13+$0x0] =	vst.idx.msk vm5, v4  }
0x8f: {  	[tilespmem:v10+s13+$0x0] =	vst.idx.msk vm11, v4  }
0x90: {  	[tilespmem:v11+s13+$0x0] =	vst.idx.msk vm0, v4  }
0x91: {  	[tilespmem:v2+s13+$0x0] =	vst.idx.msk vm1, v4  }
.LBB2_5:
0x92: {  	[tilespmem:$0x5D00] =	vst v3;
	s17 =	simm.s32 $0x0  }
0x93: {  	[hbm4b:s6+s17] =	stream.linear.scatter [tilespmem:s14], [sflag:$0x2], $0x10, $0x38;
	[tilespmem:$0x5D80] =	vst v63  }
0x94: {  	_ =	swait.ge [sflag:s12], $0x10  }
0x95: {  	[sflag:s12] =	ssyncset.done $0x0  }
0x96: {  	s18 =	simm.s32 $0xD00;
	[sflag:s12] =	ssyncadd.s32 $0xFFFFFFF0  }
0x97: {  	[hbm4b:s7+s17] =	stream.linear.scatter [tilespmem:s18], [sflag:$0x2], $0xC80, $0x38;
	[tilespmem:$0x5D80] =	vst v63  }
0x98: {  	p0 =	sle.s32 s16, $0x0;
	_ =	swait.ge [sflag:s12], $0xC80  }
0x99: {  	s19 =	simm.s32 @!p0 $0x1D00;
	[sflag:s12] =	ssyncset.done $0x0  }
0x9a: {  	s20 =	simm.s32 @!p0 $0x1;
	s17 =	simm.s32 @!p0 $0x80;
	[sflag:s12] =	ssyncadd.s32 $0xFFFFF380  }
0x9b: {  	[tilespmem:s19], [sflag:$0x1] =	stream.indirect.gather @!p0 [hbm4b:s2+s17], $0x80, s18, s17, $0xb8;
	[tilespmem:$0x5D80] =	vst v63  }
0x9c: {  	p1 =	sle.s32 s16, $0x80;
	_ =	swait.ge @!p0 [sflag:s20], $0x4000  }
0x9d: {  	s18 =	simm.s32 $0xD80;
	[sflag:s20] =	ssyncset.done @!p0 $0x0;
	p0 =	por p0, p0  }
0x9e: {  	[sflag:s20] =	ssyncadd.s32 @!p0 $0xFFFFC000;
	s17 =	simm.s32 @!p0 $0x0;
	s20 =	simm.s32 @!p0 $0x2  }
0x9f: {  	[hbm4b:s10+s17] =	stream.linear.scatter @!p0 [tilespmem:s19], [sflag:$0x2], $0x4000, $0x38;
	[tilespmem:$0x5D80] =	vst v63  }
0xa0: {  	s19 =	simm.s32 $0x100;
	s17 =	sadd.s32 $0x800, s10;
	_ =	swait.ge @!p0 [sflag:s20], $0x4000  }
.LBB2_6:
0xa1: {  	s21 =	simm.s32 @!p1 $0x80;
	s22 =	simm.s32 @!p1 $0x1D00;
	[sflag:s20] =	ssyncset.done @!p0 $0x0  }
0xa2: {  	s23 =	smov.u32 s19;
	s24 =	smov.u32 s17;
	s19 =	sadd.s32 $0x80, s19  }
0xa3: {  	s25 =	simm.s32 @!p1 $0x1;
	[sflag:s20] =	ssyncadd.s32 @!p0 $0xFFFFC000;
	p2 =	sne.s32 s19, $0xC80  }
0xa4: {  	[tilespmem:s22], [sflag:$0x1] =	stream.indirect.gather @!p1 [hbm4b:s2+s21], $0x80, s18, s21, $0xb8;
	[tilespmem:$0x5D80] =	vst v63  }
.Ltmp2:
0xa5: {  	_ =	swait.ge @!p1 [sflag:s25], $0x4000;
	(pc) =	sbr.rel @p2 .LBB2_6-.Ltmp2, $4  }
0xa6: {  	s17 =	sadd.s32 $0x800, s17;
	p0 =	por p1, p1;
	[sflag:s25] =	ssyncset.done @!p1 $0x0  }
0xa7: {  	s21 =	simm.s32 @!p0 $0x0;
	s20 =	simm.s32 @!p0 $0x2;
	[sflag:s25] =	ssyncadd.s32 @!p0 $0xFFFFC000  }
0xa8: {  	[hbm4b:s24+s21] =	stream.linear.scatter @!p0 [tilespmem:s22], [sflag:$0x2], $0x4000, $0x38;
	[tilespmem:$0x5D80] =	vst v63  }
0xa9: {  	s18 =	sadd.s32 $0x80, s18;
	p1 =	sge.s32 s23, s16;
	_ =	swait.ge @!p0 [sflag:s20], $0x4000  }
0xaa: {  	s16 =	simm.s32 @!p1 $0x80;
	[sflag:s20] =	ssyncset.done @!p0 $0x0  }
0xab: {  	s19 =	simm.s32 @!p1 $0x1D00;
	s21 =	simm.s32 @!p1 $0x1;
	[sflag:s20] =	ssyncadd.s32 @!p0 $0xFFFFC000  }
0xac: {  	[tilespmem:s19], [sflag:$0x1] =	stream.indirect.gather @!p1 [hbm4b:s2+s16], $0x80, s18, s16, $0xb8;
	[tilespmem:$0x5D80] =	vst v63  }
0xad: {  	s15 =	sadd.s32 $0x1, s15;
	p0 =	por p1, p1;
	_ =	swait.ge @!p1 [sflag:s21], $0x4000  }
0xae: {  	s16 =	simm.s32 @!p0 $0x0;
	[sflag:s21] =	ssyncset.done @!p1 $0x0;
	p1 =	sne.s32 s15, s8  }
.Ltmp3:
0xaf: {  	s18 =	simm.s32 @!p0 $0x2;
	[sflag:s21] =	ssyncadd.s32 @!p0 $0xFFFFC000;
	(pc) =	sbr.rel @p1 .LBB2_1-.Ltmp3, $4  }
0xb0: {  	[hbm4b:s17+s16] =	stream.linear.scatter @!p0 [tilespmem:s19], [sflag:$0x2], $0x4000, $0x38;
	[tilespmem:$0x5D80] =	vst v63  }
0xb1: {  	_ =	swait.ge @!p0 [sflag:s18], $0x4000  }
0xb2: {  	[sflag:s18] =	ssyncset.done @!p0 $0x0  }
0xb3: {  	[sflag:s18] =	ssyncadd.s32 @!p0 $0xFFFFC000  }
0xb4: {  	_ =	sfence.sel $0x180000  }
0xb5: {  	[bflag:$0x0] =	sbarrier.arrive $0xFFFF  }
0xb6: {  	p0 =	sne.s32 s0, $0x0;
	_ =	strace $0x90000047  }
0xb7: {  	s0 =	sadd.s32 @!p0 $0x100000, s1;
	[bflag:$0x2] =	sbarrier.arrive $0xFFFF  }
0xb8: {  	[sflag:s0] =	ssyncadd.tile.s32 @!p0 $0x1;
	_ =	shalt  }
.Lfunc_end2:
_tile_overlayer_lowered:
.L_overlay_start_2:
0xb9: {  	(tag) =	ssettag $0x2  }
0xba: {  	s0 =	rddreg [dreg:$0x0];
	s2 =	stileid.u32  }
0xbb: {  	s1 =	rddreg [dreg:$0x1];
	p0 =	sne.s32 s2, $0x0  }
0xbc: {  	s3 =	rddreg [dreg:$0x2];
	[bflag:$0x3] =	sbarrier.arrive $0xFFFF;
	s2 =	simm.s32 @!p0 $0x1C02  }
0xbd: {  	[timem:s3], [sflag:s2] =	dma.local @!p0 [hbm:s0], s1  }
0xbe: {  	s0 =	simm.s32 @!p0 $0x2  }
0xbf: {  	_ =	swait.ge @!p0 [sflag:s0], s1  }
0xc0: {  	s1 =	ssub.s32 @!p0 $0x0, s1;
	[sflag:s0] =	ssyncset.done @!p0 $0x0  }
0xc1: {  	[sflag:s0] =	ssyncadd.s32 @!p0 s1  }
0xc2: {  	[bflag:$0x3] =	sbarrier.arrive $0xFFFF  }
0xc3: {  	_ =	shalt  }

// kernel: kernel.9.cloned.1.call-start
scs
__scs_entry_jumppad:
0x0: {  	(pc) =	sbr.rel $0x88, $3  }
0x1: {  	(tag) =	ssettag $0x0;
	lr =	simm.s32 $0x1  }
0x2: {  	[smem:$0x3F9B] =	sst lr;
	_ =	strace $0xD0000000  }
0x3: {  	_ = 	snop  }
0x4: {  	_ = 	snop  }
0x5: {  	_ = 	snop  }
0x6: {  	_ = 	snop  }
0x7: {  	_ = 	snop  }
__scs_overlays_trampoline_lowered:
0x8: {  	[smem:$0x3FAA] =	sst s0  }
0x9: {  	[smem:$0x3FAB] =	sst s1  }
0xa: {  	[smem:$0x3FAC] =	sst s2  }
0xb: {  	[smem:$0x3FAD] =	sst s3  }
0xc: {  	[smem:$0x3FAE] =	sst s4  }
0xd: {  	[smem:$0x3FAF] =	sst s5  }
0xe: {  	[smem:$0x3FB0] =	sst s6  }
0xf: {  	[smem:$0x3FB1] =	sst s7  }
0x10: {  	[smem:$0x3FB2] =	sst s8  }
0x11: {  	[smem:$0x3FB3] =	sst s9;
	s0 =	simm.s32 @!p0 $0x0  }
0x12: {  	s1 =	sld [smem:$0x3F99];
	s0 =	simm.s32 @p0 $0x1  }
0x13: {  	[smem:$0x3FB4] =	sst s0;
	s0 =	simm.s32 @!p1 $0x0  }
0x14: {  	s2 =	sld [smem:$0x3F98];
	s0 =	simm.s32 @p1 $0x1  }
0x15: {  	[smem:$0x3FB5] =	sst s0;
	s0 =	simm.s32 @!p2 $0x0  }
0x16: {  	s3 =	sld [smem:$0x3FDB];
	s0 =	simm.s32 @p2 $0x1  }
0x17: {  	s4 =	simm.s32 $0x1BF5;
	[smem:$0x3FB7] =	sst s0  }
0x18: {  	s0 =	sld [smem:$0x3F9A];
	_ =	swait.ge [sflag:s4], $0x0  }
0x19: {  	s7 =	sld [smem:$0x3F9B]  }
0x1a: {  	s8 =	sadd.s32 $0xFFFFE003, lr  }
0x1b: {  	s9 =	sadd.s32 $0xFFFFFEF7, lr;
	s5 =	simm.s32 $0xFFFFFFFF;
	p2 =	slt.u32 s8, $0xFFFFF086  }
0x1c: {  	p1 =	slt.u32 s9, $0xF7A;
	s5 =	simm.s32 @!p2 $0x0  }
0x1d: {  	s5 =	simm.s32 @p1 $0x1;
	p0 =	seq.s32 s7, s2  }
0x1e: {  	s7 =	smul.u32 @!p0 $0xF7A, s2;
	p2 =	seq.s32 @!p0 s5, $0x0  }
0x1f: {  	s9 =	smul.u32 $0xF7A, s1;
	s8 =	simm.s32 @!p0 $0x1BF5;
	p2 =	por !p2, p0  }
0x20: {  	[sflag:s8] =	ssyncset.s32 @!p0 $0xFFFFF086;
	s6 =	sadd.s32 @!p0 s3, s7;
	s7 =	simm.s32 @!p0 $0x108  }
0x21: {  	s3 =	sadd.s32 s3, s9;
	s6 =	sadd.s32 @!p0 $0x88, s6;
	s7 =	simm.s32 @p2 $0x1082  }
0x22: {  	[simem:s7], [sflag:s8] =	dma.local @!p0 [hbm:s6], $0xF7A  }
0x23: {  	s9 =	sor.u32 $0xD0000000, s2;
	s6 =	simm.s32 $0x108;
	_ =	swait.ge @!p0 [sflag:s8], $0x0  }
0x24: {  	s3 =	sadd.s32 $0x88, s3;
	s6 =	simm.s32 @!p1 $0x1082;
	[sflag:s4] =	ssyncset.s32 $0xFFFFF086  }
0x25: {  	[simem:s6], [sflag:s4] =	dma.local [hbm:s3], $0xF7A  }
0x26: {  	[smem:$0x3F9B] =	sst s1;
	(tag) =	ssettag s2;
	_ =	strace s9  }
0x27: {  	s1 =	sld [smem:$0x3FAB]  }
0x28: {  	s2 =	sld [smem:$0x3FAC]  }
0x29: {  	s4 =	sld [smem:$0x3FAE]  }
0x2a: {  	p0 =	seq.s32 s5, $0x0;
	s5 =	sld [smem:$0x3FAF]  }
0x2b: {  	s6 =	sld [smem:$0x3FB0]  }
0x2c: {  	s7 =	sld [smem:$0x3FB1]  }
0x2d: {  	s3 =	simm.s32 $0x108;
	s8 =	sld [smem:$0x3FB2]  }
0x2e: {  	s3 =	simm.s32 @!p0 $0x1082;
	s9 =	sld [smem:$0x3FB3]  }
0x2f: {  	lr =	sadd.s32 s0, s3;
	s0 =	sld [smem:$0x3FAA]  }
0x30: {  	s3 =	sld [smem:$0x3FAD]  }
0x31: {  	[smem:$0x3FB6] =	sst s10  }
0x32: {  	s10 =	sld [smem:$0x3FB4];
	_ =	sdelay $0x3  }
0x33: {  	p0 =	seq.s32 s10, $0x1;
	s10 =	sld [smem:$0x3FB6];
	_ =	sdelay $0x3  }
0x34: {  	[smem:$0x3FB6] =	sst s10  }
0x35: {  	s10 =	sld [smem:$0x3FB5];
	_ =	sdelay $0x3  }
0x36: {  	p1 =	seq.s32 s10, $0x1;
	s10 =	sld [smem:$0x3FB6];
	_ =	sdelay $0x3  }
0x37: {  	[smem:$0x3FB6] =	sst s10  }
0x38: {  	s10 =	sld [smem:$0x3FB7]  }
0x39: {  	_ = 	snop;
	(pc) =	sbr.ind lr, $3  }
0x3a: {  	_ = 	snop  }
0x3b: {  	_ = 	snop  }
0x3c: {  	p2 =	seq.s32 s10, $0x1;
	s10 =	sld [smem:$0x3FB6]  }
0x3d: {  	_ =	shalt  }
0x3e: {  	_ =	shalt  }
0x3f: {  	_ =	shalt  }
0x40: {  	_ =	shalt  }
0x41: {  	_ =	shalt  }
0x42: {  	_ =	shalt  }
0x43: {  	_ =	shalt  }
0x44: {  	_ =	shalt  }
0x45: {  	_ =	shalt  }
0x46: {  	_ =	shalt  }
0x47: {  	_ =	shalt  }
0x48: {  	_ =	shalt  }
0x49: {  	_ =	shalt  }
0x4a: {  	_ =	shalt  }
0x4b: {  	_ =	shalt  }
0x4c: {  	_ =	shalt  }
0x4d: {  	_ =	shalt  }
0x4e: {  	_ =	shalt  }
0x4f: {  	_ =	shalt  }
0x50: {  	_ =	shalt  }
0x51: {  	_ =	shalt  }
0x52: {  	_ =	shalt  }
0x53: {  	_ =	shalt  }
0x54: {  	_ =	shalt  }
0x55: {  	_ =	shalt  }
0x56: {  	_ =	shalt  }
0x57: {  	_ =	shalt  }
0x58: {  	_ =	shalt  }
0x59: {  	_ =	shalt  }
0x5a: {  	_ =	shalt  }
0x5b: {  	_ =	shalt  }
0x5c: {  	_ =	shalt  }
0x5d: {  	_ =	shalt  }
0x5e: {  	_ =	shalt  }
0x5f: {  	_ =	shalt  }
0x60: {  	_ =	shalt  }
0x61: {  	_ =	shalt  }
0x62: {  	_ =	shalt  }
0x63: {  	_ =	shalt  }
0x64: {  	_ =	shalt  }
0x65: {  	_ =	shalt  }
0x66: {  	_ =	shalt  }
0x67: {  	_ =	shalt  }
0x68: {  	_ =	shalt  }
0x69: {  	_ =	shalt  }
0x6a: {  	_ =	shalt  }
0x6b: {  	_ =	shalt  }
0x6c: {  	_ =	shalt  }
0x6d: {  	_ =	shalt  }
0x6e: {  	_ =	shalt  }
0x6f: {  	_ =	shalt  }
0x70: {  	_ =	shalt  }
0x71: {  	_ =	shalt  }
0x72: {  	_ =	shalt  }
0x73: {  	_ =	shalt  }
0x74: {  	_ =	shalt  }
0x75: {  	_ =	shalt  }
0x76: {  	_ =	shalt  }
0x77: {  	_ =	shalt  }
0x78: {  	_ =	shalt  }
0x79: {  	_ =	shalt  }
0x7a: {  	_ =	shalt  }
0x7b: {  	_ =	shalt  }
0x7c: {  	_ =	shalt  }
0x7d: {  	_ =	shalt  }
0x7e: {  	_ =	shalt  }
0x7f: {  	_ =	shalt  }
0x80: {  	_ =	shalt  }
0x81: {  	_ =	shalt  }
0x82: {  	_ =	shalt  }
0x83: {  	_ =	shalt  }
0x84: {  	_ =	shalt  }
0x85: {  	_ =	shalt  }
0x86: {  	_ =	shalt  }
0x87: {  	_ =	shalt  }
.Lfunc_end0:
.L_simem_size_0:
called_computation.1_lowered:
.L_overlay_start_0:
0x88: {  	s2 =	sld [smem:$0x3FD9]  }
0x89: {  	s3 =	sld [smem:$0x3FFE];
	_ =	sdelay $0x1  }
0x8a: {  	s1 =	srdreg.scid  }
0x8b: {  	s0 =	sand.u32 $0x1, s1  }
0x8c: {  	s17 =	sshll.u32 s0, $0xA;
	s2 =	sadd.s32 s3, s2  }
0x8d: {  	s2 =	sadd.s32 s2, s17  }
0x8e: {  	[smem:$0x3FC2] =	sst s2  }
0x8f: {  	_ = 	snop  }
0x90: {  	s2 =	sld [smem:$0x3FD0];
	(tm) =	ssettm $0x1  }
0x91: {  	s18 =	sld [smem:$0x3FFB];
	_ =	sdelay $0x3  }
0x92: {  	_ =	strace s18  }
0x93: {  	s3 =	sld [smem:$0x3FFC];
	_ =	sdelay $0x3  }
0x94: {  	_ =	strace s3  }
0x95: {  	s3 =	sld [smem:$0x3FFD];
	_ =	sdelay $0x3  }
0x96: {  	_ =	strace s3  }
0x97: {  	_ =	strace $0x8FFFFFFF  }
0x98: {  	s19 =	sld [smem:$0x3FDB];
	_ =	sdelay $0x1  }
0x99: {  	s4 =	simm.s32 $_scs_section_size  }
0x9a: {  	s5 =	simm.s32 $_size__tile_overlayer_lowered;
	s6 =	simm.s32 $_tile_overlayer_lowered  }
0x9b: {  	s22 =	simm.s32 $0x1BFF;
	s21 =	sshll.u32 s6, $0x1;
	s3 =	sadd.s32 s4, s19  }
0x9c: {  	s7 =	simm.s32 $0x0;
	s20 =	sshll.u32 s5, $0x1;
	s5 =	sadd.s32 s21, s3  }
0x9d: {  	[timem:s7], [sflag:s22] =	dma.local [hbm:s5], s20  }
0x9e: {  	_ =	swait.ge [sflag:s22], s20  }
0x9f: {  	s4 =	ssub.s32 $0x0, s20;
	[sflag:s22] =	ssyncset.done $0x0  }
0xa0: {  	[sflag:s22] =	ssyncadd.s32 s4;
	_ =	sdelay $0x1  }
0xa1: {  	s23 =	simm.s32 $0x1B8B  }
0xa2: {  	_ =	swait.ge [sflag:s23], $0x1  }
0xa3: {  	[sflag:s23] =	ssyncset.done $0x0  }
0xa4: {  	s25 =	simm.s32 $0x1B8E;
	s24 =	sld [smem:$0x3FFE];
	[sflag:s23] =	ssyncadd.s32 $0xFFFFFFFF  }
0xa5: {  	s26 =	simm.s32 $execute0_lowered;
	[smem:$0x3FD2] =	sst s25  }
0xa6: {  	s5 =	sshll.u32 s26, $0x1;
	_ =	strace $0x80000049;
	[dreg:$0x1] =	wrdreg $0xFFFFFFFF  }
0xa7: {  	s28 =	simm.s32 $_size_execute0_lowered;
	s3 =	sadd.s32 s3, s5;
	[dreg:$0x0] =	wrdreg $0x0  }
0xa8: {  	s5 =	sshll.u32 s28, $0x1;
	[dreg:$0x2] =	wrdreg s3  }
0xa9: {  	[dreg:$0x3] =	wrdreg s5  }
0xaa: {  	[dreg:$0x4] =	wrdreg $0xC0  }
0xab: {  	_ =	task [dreg:s7], $0x5FFFF  }
0xac: {  	[dreg:$0x1] =	wrdreg $0xFFFFFFFF  }
0xad: {  	[dreg:$0x0] =	wrdreg $0x60  }
0xae: {  	[dreg:$0x2] =	wrdreg s2  }
0xaf: {  	[dreg:$0x3] =	wrdreg s24  }
0xb0: {  	[dreg:$0x4] =	wrdreg $0x9  }
0xb1: {  	_ =	task.clear_ibuf [dreg:s7], $0x5FFFF;
	_ =	strace $0x90000049  }
0xb2: {  	s29 =	simm.s32 $0x9;
	_ =	strace $0x8000004B  }
0xb3: {  	_ =	swait.ge [sflag:s29], $0x1  }
0xb4: {  	[sflag:s29] =	ssyncadd.s32 $0xFFFFFFFF  }
0xb5: {  	_ =	strace $0x9000004B  }
0xb6: {  	_ =	sfence  }
0xb7: {  	s30 =	sld [smem:$0x0];
	_ =	sdelay $0x2  }
0xb8: {  	s31 =	sshll.u32 s1, $0xD;
	s1 =	sshrl.u32 s1, $0x2  }
0xb9: {  	s3 =	sand.u32 $0x4000, s31;
	s1 =	sadd.s32 s1, s30  }
0xba: {  	s0 =	sor.u32 s3, s0;
	s1 =	sshll.u32 s1, $0x11  }
0xbb: {  	s0 =	sor.u32 s1, s0  }
0xbc: {  	s0 =	sadd.s32 $0x8F2B, s0  }
0xbd: {  	[sflag:s0] =	ssyncadd.remote.s32 $0x1  }
0xbe: {  	_ =	sfence.sel $0xFFFF  }
0xbf: {  	[dreg:$0x0] =	wrdreg $0xFFFFFFFF;
	(pc) =	sbr.abs _section_cstart, $3  }
0xc0: {  	[dreg:$0x1] =	wrdreg $0xFFFFFFFF  }
0xc1: {  	_ =	task.clear_ibuf [dreg:s7], $0x2FFFF;
	_ =	strace $0x9FFFFFFF  }
0xc2: {  	(tm) =	ssettm $0x7FFFFFFF  }
0xc3: {  	_ =	shalt  }
tec
execute0_lowered:
.L_overlay_start_1:
0x0: {  	(tag) =	ssettag $0x1  }
0x1: {  	s2 =	rddreg [dreg:$0x0]  }
0x2: {  	s4 =	rddreg [dreg:$0x1]  }
0x3: {  	s0 =	rddreg [dreg:$0x2];
	s3 =	simm.s32 $0x0;
	s1 =	stileid.u32  }
0x4: {  	s5 =	srdreg.scid;
	s10 =	simm.s32 $0x0;
	s6 =	smul.u32 $0x19000, s1  }
0x5: {  	s5 =	sand.u32 $0x1, s5;
	s7 =	sshll.u32 s1, $0x1;
	[smem:$0x7FF] =	sst s3  }
0x6: {  	s7 =	sor.u32 s5, s7;
	_ =	strace $0x8000004A;
	s9 =	ssub.s32 $0x2, s5  }
0x7: {  	s5 =	smul.u32 $0xC800, s5;
	s6 =	sadd.s32 s6, s4;
	s8 =	sshll.u32 s7, $0x9  }
0x8: {  	s7 =	sshll.u32 s7, $0x1;
	s30 =	sshrl.u32 s9, $0x1;
	s8 =	sadd.s32 s8, s4  }
0x9: {  	s4 =	sadd.s32 s7, s4;
	s7 =	ssub.s32 s9, s30;
	s31 =	sadd.s32 s5, s6  }
0xa: {  	s9 =	simm.s32 $0x2;
	s4 =	sadd.s32 $0x198A00, s4;
	s5 =	sadd.s32 $0x194A00, s8  }
0xb: {  	s6 =	smax.u32 s7, $0x1;
	s7 =	sadd.s32 $0x198C00, s31;
	s8 =	simm.s32 $0x5000  }
.LBB2_1:
0xc: {  	[tilespmem:s8], [sflag:$0x2] =	stream.linear.gather [hbm4b:s4+s3], $0x10, $0x38;
	[tilespmem:$0x5080] =	vst v63  }
0xd: {  	_ =	swait.ge [sflag:s9], $0x10  }
0xe: {  	[sflag:s9] =	ssyncset.done $0x0  }
0xf: {  	[sflag:s9] =	ssyncadd.s32 $0xFFFFFFF0  }
0x10: {  	v0 =	vld [tilespmem:$0x5000];
	_ =	sdelay $0x4  }
0x11: {  	v0 =	vxor.u32 $0x80000000, v0  }
0x12: {  	(xrf0) =	vmax.scan.msk.u32 $0xffff, v0;
	_ =	sdelay $0x5  }
0x13: {  	v0, _, _ =	vpop (xrf0)  }
0x14: {  	(v2sf) =	vpush v0, $0xF;
	_ =	sdelay $0xd  }
0x15: {  	[tilespmem:s3], [sflag:$0x2] =	stream.linear.gather [hbm4b:s5+s3], $0xC80, $0x38;
	[tilespmem:$0x5080] =	vst v63  }
0x16: {  	s11 =	spop (v2sf)  }
0x17: {  	_ =	swait.ge [sflag:s9], $0xC80  }
0x18: {  	s11 =	sxor.u32 $0x80000000, s11;
	[sflag:s9] =	ssyncset.done $0x0  }
0x19: {  	p0 =	sle.s32 s11, $0x0;
	[sflag:s9] =	ssyncadd.s32 $0xFFFFF380  }
0x1a: {  	s12 =	simm.s32 @!p0 $0x0;
	s13 =	simm.s32 @!p0 $0x1000;
	s14 =	simm.s32 @!p0 $0x2  }
0x1b: {  	[tilespmem:s13], [sflag:$0x2] =	stream.linear.gather @!p0 [hbm4b:s7+s12], $0x4000, $0x38;
	[tilespmem:$0x5080] =	vst v63  }
0x1c: {  	_ =	swait.ge @!p0 [sflag:s14], $0x4000  }
0x1d: {  	[sflag:s14] =	ssyncset.done @!p0 $0x0;
	p0 =	por p0, p0  }
0x1e: {  	p1 =	sle.s32 s11, $0x80;
	[sflag:s14] =	ssyncadd.s32 @!p0 $0xFFFFC000  }
0x1f: {  	s12 =	simm.s32 @!p0 $0x80;
	s14 =	simm.s32 $0x100;
	s15 =	simm.s32 @!p0 $0x1  }
0x20: {  	[hbm4b:s2+s12] =	stream.indirect.scatter @!p0 [tilespmem:s13], [sflag:$0x1], $0x80, s3, s12, $0xb8;
	[tilespmem:$0x5080] =	vst v63  }
0x21: {  	s12 =	simm.s32 $0x80;
	s13 =	sadd.s32 $0x800, s7;
	_ =	swait.ge @!p0 [sflag:s15], $0x4000  }
.LBB2_2:
0x22: {  	s16 =	simm.s32 @!p1 $0x0;
	s17 =	simm.s32 @!p1 $0x1000;
	[sflag:s15] =	ssyncset.done @!p0 $0x0  }
0x23: {  	s18 =	smov.u32 s14;
	s19 =	smov.u32 s12;
	s14 =	sadd.s32 $0x80, s14  }
0x24: {  	s20 =	simm.s32 @!p1 $0x2;
	[sflag:s15] =	ssyncadd.s32 @!p0 $0xFFFFC000;
	p2 =	sne.s32 s14, $0xC80  }
0x25: {  	[tilespmem:s17], [sflag:$0x2] =	stream.linear.gather @!p1 [hbm4b:s13+s16], $0x4000, $0x38;
	[tilespmem:$0x5080] =	vst v63  }
.Ltmp0:
0x26: {  	_ =	swait.ge @!p1 [sflag:s20], $0x4000;
	(pc) =	sbr.rel @p2 .LBB2_2-.Ltmp0, $4  }
0x27: {  	s12 =	sadd.s32 $0x80, s12;
	p0 =	por p1, p1;
	[sflag:s20] =	ssyncset.done @!p1 $0x0  }
0x28: {  	s16 =	simm.s32 @!p0 $0x80;
	s15 =	simm.s32 @!p0 $0x1;
	[sflag:s20] =	ssyncadd.s32 @!p0 $0xFFFFC000  }
0x29: {  	[hbm4b:s2+s16] =	stream.indirect.scatter @!p0 [tilespmem:s17], [sflag:$0x1], $0x80, s19, s16, $0xb8;
	[tilespmem:$0x5080] =	vst v63  }
0x2a: {  	s13 =	sadd.s32 $0x800, s13;
	p1 =	sge.s32 s18, s11;
	_ =	swait.ge @!p0 [sflag:s15], $0x4000  }
0x2b: {  	s11 =	simm.s32 @!p1 $0x0;
	[sflag:s15] =	ssyncset.done @!p0 $0x0  }
0x2c: {  	s14 =	simm.s32 @!p1 $0x1000;
	s16 =	simm.s32 @!p1 $0x2;
	[sflag:s15] =	ssyncadd.s32 @!p0 $0xFFFFC000  }
0x2d: {  	[tilespmem:s14], [sflag:$0x2] =	stream.linear.gather @!p1 [hbm4b:s13+s11], $0x4000, $0x38;
	[tilespmem:$0x5080] =	vst v63  }
0x2e: {  	s10 =	sadd.s32 $0x1, s10;
	p0 =	por p1, p1;
	_ =	swait.ge @!p1 [sflag:s16], $0x4000  }
0x2f: {  	s11 =	simm.s32 @!p0 $0x80;
	[sflag:s16] =	ssyncset.done @!p1 $0x0;
	p1 =	sne.s32 s10, s6  }
.Ltmp1:
0x30: {  	s13 =	simm.s32 @!p0 $0x1;
	[sflag:s16] =	ssyncadd.s32 @!p0 $0xFFFFC000;
	(pc) =	sbr.rel @p1 .LBB2_1-.Ltmp1, $4  }
0x31: {  	[hbm4b:s2+s11] =	stream.indirect.scatter @!p0 [tilespmem:s14], [sflag:$0x1], $0x80, s12, s11, $0xb8;
	[tilespmem:$0x5080] =	vst v63  }
0x32: {  	_ =	swait.ge @!p0 [sflag:s13], $0x4000  }
0x33: {  	[sflag:s13] =	ssyncset.done @!p0 $0x0  }
0x34: {  	[sflag:s13] =	ssyncadd.s32 @!p0 $0xFFFFC000  }
0x35: {  	_ =	sfence.sel $0x180000  }
0x36: {  	[bflag:$0x0] =	sbarrier.arrive $0xFFFF  }
0x37: {  	p0 =	sne.s32 s1, $0x0;
	_ =	strace $0x9000004A  }
0x38: {  	s0 =	sadd.s32 @!p0 $0x100000, s0;
	[bflag:$0x2] =	sbarrier.arrive $0xFFFF  }
0x39: {  	[sflag:s0] =	ssyncadd.tile.s32 @!p0 $0x1;
	_ =	shalt  }
.Lfunc_end2:
_tile_overlayer_lowered:
.L_overlay_start_2:
0x3a: {  	(tag) =	ssettag $0x2  }
0x3b: {  	s0 =	rddreg [dreg:$0x0];
	s2 =	stileid.u32  }
0x3c: {  	s1 =	rddreg [dreg:$0x1];
	p0 =	sne.s32 s2, $0x0  }
0x3d: {  	s3 =	rddreg [dreg:$0x2];
	[bflag:$0x3] =	sbarrier.arrive $0xFFFF;
	s2 =	simm.s32 @!p0 $0x1C02  }
0x3e: {  	[timem:s3], [sflag:s2] =	dma.local @!p0 [hbm:s0], s1  }
0x3f: {  	s0 =	simm.s32 @!p0 $0x2  }
0x40: {  	_ =	swait.ge @!p0 [sflag:s0], s1  }
0x41: {  	s1 =	ssub.s32 @!p0 $0x0, s1;
	[sflag:s0] =	ssyncset.done @!p0 $0x0  }
0x42: {  	[sflag:s0] =	ssyncadd.s32 @!p0 s1  }
0x43: {  	[bflag:$0x3] =	sbarrier.arrive $0xFFFF  }
0x44: {  	_ =	shalt  }

</sc_bundles>
